<compile_context>
chip_gen: v7x
topology: tpu7x:2x2x1
jax: 0.10.2.dev20260603
libtpu: 0.0.44.dev20260713+nightly
codegen_flags: <defaults>
</compile_context>

<pallas_src>
import jax
import jax.numpy as jnp
from jax import lax
from jax.experimental import pallas as pl
from jax.experimental.pallas import tpu as pltpu
from jax.experimental.pallas import tpu_sc as plsc

B = 32
P = 8732
C = 21
P2 = 8832
PADN = P2 - P
CPAD = 24
NEGPOS_RATIO = 3
THRESHHOLD = 0.1
NGT = 16

_SC_PARAMS = pltpu.CompilerParams(needs_layout_passes=False)


def _match_body(priors_ref, truth_ref, ploc_ref,
                conf_ref, npos_ref, lloc_ref):
    b = pl.program_id(0)
    lane = lax.broadcasted_iota(jnp.int32, (1, P), 1).astype(jnp.float32)

    pr = priors_ref[...]
    pcx, pcy, pw, ph = pr[0:1], pr[1:2], pr[2:3], pr[3:4]
    px1 = pcx - 0.5 * pw
    py1 = pcy - 0.5 * ph
    px2 = pcx + 0.5 * pw
    py2 = pcy + 0.5 * ph
    size_p = (px2 - px1) * (py2 - py1)

    t = truth_ref[0]
    tx1, ty1 = t[:, 0:1], t[:, 1:2]
    tx2, ty2 = t[:, 2:3], t[:, 3:4]
    tlab = t[:, 4:5]
    size_g = (tx2 - tx1) * (ty2 - ty1)

    ix1 = jnp.maximum(px1, tx1)
    iy1 = jnp.maximum(py1, ty1)
    ix2 = jnp.minimum(px2, tx2)
    iy2 = jnp.minimum(py2, ty2)
    cw = jnp.maximum(ix2 - ix1, 0.0)
    chh = jnp.maximum(iy2 - iy1, 0.0)
    cross = cw * chh
    total = size_p + size_g
    iou = cross / total - cross

    giota = lax.broadcasted_iota(jnp.int32, (NGT, 1), 0).astype(jnp.float32)

    best_gt_overlap = jnp.max(iou, axis=0, keepdims=True)
    eq_g = iou == best_gt_overlap
    bgi = jnp.min(jnp.where(eq_g, giota, 99.0), axis=0, keepdims=True)

    best_p_overlap = jnp.max(iou, axis=1, keepdims=True)
    eq_p = iou == best_p_overlap
    bpi = jnp.min(jnp.where(eq_p, lane, 1e9), axis=1, keepdims=True)

    hit = lane == bpi
    winner = jnp.max(jnp.where(hit, giota, -1.0), axis=0, keepdims=True)
    bgi = jnp.where(winner >= 0.0, winner, bgi)

    onehot = (bgi == giota).astype(jnp.float32)
    gath = jax.lax.dot_general(
        t, onehot, (((0,), (0,)), ((), ())),
        preferred_element_type=jnp.float32)
    mx1, my1 = gath[0:1], gath[1:2]
    mx2, my2 = gath[2:3], gath[3:4]
    conf = gath[4:5] + 1.0

    conf = jnp.where(best_gt_overlap < THRESHHOLD, 0.0, conf)
    pos = conf > 0.0

    l_cx = ((mx1 + mx2) / 2.0 - pcx) / pw
    l_cy = ((my1 + my2) / 2.0 - pcy) / ph
    l_w = jnp.log((mx2 - mx1) / pw)
    l_h = jnp.log((my2 - my1) / ph)

    pd = ploc_ref[0]
    d0 = jnp.abs(pd[0:1] - l_cx)
    d1 = jnp.abs(pd[1:2] - l_cy)
    d2 = jnp.abs(pd[2:3] - l_w)
    d3 = jnp.abs(pd[3:4] - l_h)

    def smooth(dd):
        return jnp.where(dd < 1.0, 0.5 * dd * dd, dd - 0.5)

    ssum = smooth(d0) + smooth(d1) + smooth(d2) + smooth(d3)
    lloc_part = jnp.sum(jnp.where(pos, ssum, 0.0))
    npos_part = jnp.sum(jnp.where(pos, 1.0, 0.0))

    conf_ref[0] = jnp.concatenate(
        [conf, jnp.zeros((1, PADN), jnp.float32)], axis=1)
    npos_ref[0, 0, 0] = npos_part

    @pl.when(b == 0)
    def _():
        lloc_ref[0, 0] = 0.0

    lloc_ref[0, 0] += lloc_part


def _run_match(priors_t, truth, ploc_t):
    return pl.pallas_call(
        _match_body,
        grid=(B,),
        in_specs=[
            pl.BlockSpec((4, P), lambda b: (0, 0)),
            pl.BlockSpec((1, NGT, 5), lambda b: (b, 0, 0)),
            pl.BlockSpec((1, 4, P), lambda b: (b, 0, 0)),
        ],
        out_specs=[
            pl.BlockSpec((1, 1, P2), lambda b: (b, 0, 0)),
            pl.BlockSpec((1, 1, 1), lambda b: (b, 0, 0),
                         memory_space=pltpu.SMEM),
            pl.BlockSpec((1, 1), lambda b: (0, 0),
                         memory_space=pltpu.SMEM),
        ],
        out_shape=[
            jax.ShapeDtypeStruct((B, 1, P2), jnp.float32),
            jax.ShapeDtypeStruct((B, 1, 1), jnp.float32),
            jax.ShapeDtypeStruct((1, 1), jnp.float32),
        ],
        compiler_params=pltpu.CompilerParams(
            dimension_semantics=("arbitrary",)),
    )(priors_t, truth, ploc_t)


def _keys_body(pconf_ref, conf_ref,
               keys_ref, ce2_ref, cepos_ref, gmax_ref):
    j = pl.program_id(0)
    b = pl.program_id(1)
    x = pconf_ref[0]

    @pl.when((j == 0) & (b == 0))
    def _():
        gmax_ref[0] = -jnp.inf

    @pl.when(j == 0)
    def _():
        gmax_ref[0] = jnp.maximum(gmax_ref[0], jnp.max(x))

    @pl.when(j == 1)
    def _keys_phase():
        _keys_phase1(x, conf_ref, keys_ref, ce2_ref, cepos_ref, gmax_ref,
                     pos_b=b)


def _keys_phase1(x, conf_ref, keys_ref, ce2_ref, cepos_ref, gmax_ref,
                 pos_b):
    xmax = gmax_ref[0]
    e2 = jnp.exp(x - xmax)
    s2 = jnp.sum(e2, axis=0, keepdims=True)
    lse = jnp.log(s2) + xmax

    conf = conf_ref[0][:, :P]
    pos = conf > 0.0
    ciota = lax.broadcasted_iota(jnp.int32, (C, 1), 0).astype(jnp.float32)
    sel = ciota == conf
    picked = jnp.sum(jnp.where(sel, x, 0.0), axis=0, keepdims=True)

    ce = lse - picked
    key = jnp.where(pos, 0.0, ce)
    cepos_part = jnp.sum(jnp.where(pos, ce, 0.0))

    keys_ref[0] = jnp.concatenate(
        [key, jnp.full((1, PADN), jnp.inf, jnp.float32)], axis=1)
    ce2_ref[0] = jnp.concatenate(
        [key, jnp.zeros((1, PADN), jnp.float32)], axis=1)

    @pl.when(pos_b == 0)
    def _():
        cepos_ref[0, 0] = 0.0

    cepos_ref[0, 0] += cepos_part


def _run_keys(pconf_t, conf):
    return pl.pallas_call(
        _keys_body,
        grid=(2, B),
        in_specs=[
            pl.BlockSpec((1, C, P), lambda j, b: (b, 0, 0)),
            pl.BlockSpec((1, 1, P2), lambda j, b: (b, 0, 0)),
        ],
        out_specs=[
            pl.BlockSpec((1, 1, P2), lambda j, b: (b, 0, 0)),
            pl.BlockSpec((1, 1, P2), lambda j, b: (b, 0, 0)),
            pl.BlockSpec((1, 1), lambda j, b: (0, 0),
                         memory_space=pltpu.SMEM),
        ],
        out_shape=[
            jax.ShapeDtypeStruct((B, 1, P2), jnp.float32),
            jax.ShapeDtypeStruct((B, 1, P2), jnp.float32),
            jax.ShapeDtypeStruct((1, 1), jnp.float32),
        ],
        scratch_shapes=[pltpu.SMEM((1,), jnp.float32)],
        compiler_params=pltpu.CompilerParams(
            dimension_semantics=("arbitrary", "arbitrary")),
    )(pconf_t, conf)


_NV = P2 // 16
_NBUCKET = 2048
_NHV = _NBUCKET // 16


def _sc_body(keys_hbm, ce2_hbm, npos_hbm, t_hbm,
             kf, k0, i0, k1, i1, hista, histb, ce2s, accv, nposv):
    wid = lax.axis_index("s") * 2 + lax.axis_index("c")
    pltpu.sync_copy(keys_hbm.at[wid, 0], kf)
    pltpu.sync_copy(ce2_hbm.at[wid, 0], ce2s)
    pltpu.sync_copy(npos_hbm, nposv)

    lane16 = lax.iota(jnp.int32, 16)
    sign = jnp.full((16,), jnp.int32(-2147483648))
    npf = plsc.load_gather(nposv, [jnp.full((16,), wid, jnp.int32)])
    nneg = jnp.minimum(
        jnp.float32(NEGPOS_RATIO) * npf,
        jnp.float32(P - 1)).astype(jnp.int32)

    def digit(k, shift):
        return lax.bitwise_and(
            lax.shift_right_logical(k, shift), jnp.int32(_NBUCKET - 1))

    def zero_hist(h_ref):
        def zb(h, _):
            h_ref[pl.ds(h * 16, 16)] = jnp.zeros((16,), jnp.int32)
            return 0
        lax.fori_loop(0, _NHV, zb, 0)

    def scan_hist(h_ref):
        def sb(h, run):
            v = h_ref[pl.ds(h * 16, 16)]
            cs = plsc.cumsum(v)
            h_ref[pl.ds(h * 16, 16)] = cs - v + run
            return run + jnp.sum(v)
        lax.fori_loop(0, _NHV, sb, jnp.int32(0))

    zero_hist(hista)

    def init_body(v, _):
        kb = plsc.bitcast(kf[pl.ds(v * 16, 16)], jnp.int32)
        m = lax.shift_right_arithmetic(kb, 31)
        u = lax.bitwise_xor(kb, lax.bitwise_or(m, sign))
        k0[pl.ds(v * 16, 16)] = u
        i0[pl.ds(v * 16, 16)] = v * 16 + lane16
        d = digit(u, 0)
        cnt, last = plsc.scan_count(d)
        plsc.addupdate_scatter(hista, [d], cnt, mask=last)
        return 0

    lax.fori_loop(0, _NV, init_body, 0)

    scan_hist(hista)
    zero_hist(histb)

    def perm0_body(v, _):
        k = k0[pl.ds(v * 16, 16)]
        iv = i0[pl.ds(v * 16, 16)]
        d = digit(k, 0)
        cnt, last = plsc.scan_count(d)
        base = plsc.load_gather(hista, [d])
        dest = base + cnt - 1
        plsc.store_scatter(k1, [dest], k)
        plsc.store_scatter(i1, [dest], iv)
        plsc.addupdate_scatter(hista, [d], cnt, mask=last)
        d1 = digit(k, 11)
        cnt1, last1 = plsc.scan_count(d1)
        plsc.addupdate_scatter(histb, [d1], cnt1, mask=last1)
        return 0

    lax.fori_loop(0, _NV, perm0_body, 0)

    scan_hist(histb)
    zero_hist(hista)

    def perm1_body(v, _):
        k = k1[pl.ds(v * 16, 16)]
        iv = i1[pl.ds(v * 16, 16)]
        d = digit(k, 11)
        cnt, last = plsc.scan_count(d)
        base = plsc.load_gather(histb, [d])
        dest = base + cnt - 1
        plsc.store_scatter(k0, [dest], k)
        plsc.store_scatter(i0, [dest], iv)
        plsc.addupdate_scatter(histb, [d], cnt, mask=last)
        d2 = digit(k, 22)
        cnt2, last2 = plsc.scan_count(d2)
        plsc.addupdate_scatter(hista, [d2], cnt2, mask=last2)
        return 0

    lax.fori_loop(0, _NV, perm1_body, 0)

    scan_hist(hista)

    def last_body(v, acc):
        k = k0[pl.ds(v * 16, 16)]
        iv = i0[pl.ds(v * 16, 16)]
        d = digit(k, 22)
        cnt, last = plsc.scan_count(d)
        base = plsc.load_gather(hista, [d])
        dest = base + cnt - 1
        cv = plsc.load_gather(ce2s, [dest])
        plsc.addupdate_scatter(hista, [d], cnt, mask=last)
        return acc + jnp.where(iv < nneg, cv, 0.0)

    acc = lax.fori_loop(0, _NV, last_body, jnp.zeros((16,), jnp.float32))
    accv[...] = acc
    pltpu.sync_copy(accv, t_hbm.at[wid])


def _run_sc_sort_select(keys, ce2, npos):
    mesh = plsc.VectorSubcoreMesh(core_axis_name="c", subcore_axis_name="s")
    f = pl.kernel(
        _sc_body,
        out_type=jax.ShapeDtypeStruct((B, 16), jnp.float32),
        mesh=mesh,
        scratch_types=[
            pltpu.VMEM((P2,), jnp.float32),
            pltpu.VMEM((P2,), jnp.int32),
            pltpu.VMEM((P2,), jnp.int32),
            pltpu.VMEM((P2,), jnp.int32),
            pltpu.VMEM((P2,), jnp.int32),
            pltpu.VMEM((_NBUCKET,), jnp.int32),
            pltpu.VMEM((_NBUCKET,), jnp.int32),
            pltpu.VMEM((P2,), jnp.float32),
            pltpu.VMEM((16,), jnp.float32),
            pltpu.VMEM((B,), jnp.float32),
        ],
        compiler_params=_SC_PARAMS,
    )
    return f(keys, ce2, npos)


def kernel(pred_conf, pred_loc, priory_boxes, truth):
    pconf_t = jnp.transpose(pred_conf, (0, 2, 1))
    ploc_t = jnp.transpose(pred_loc, (0, 2, 1))
    priors_t = priory_boxes.T

    conf, npos, lloc = _run_match(priors_t, truth, ploc_t)
    keys, ce2, cepos = _run_keys(pconf_t, conf)
    tpart = _run_sc_sort_select(keys, ce2, jnp.reshape(npos, (B,)))

    n = jnp.sum(npos)
    loss_loc = lloc[0, 0] / n
    loss_c = (cepos[0, 0] + jnp.sum(tpart)) / n
    return (loss_loc, loss_c)

# --- scband reference (transcript-rebuilt; emitter-appended) ---
"""Pipeline reference for scband-multibox-loss-80307298500651 (READ-ONLY COPY).

The authoritative reference and input builder live on the scoring server;
editing this copy changes nothing except your own understanding.
"""

import jax, jax.numpy as jnp
import numpy as np

NUM_CLASSES = 21
NEGPOS_RATIO = 3
THRESHHOLD = 0.1


def _point_form(boxes):
    return jnp.concatenate([boxes[:, :2] - 0.5 * boxes[:, 2:], boxes[:, :2] + 0.5 * boxes[:, 2:]], axis=1)


def _calculate_iou(boxes_priory, boxes_gt):
    size_priory = (boxes_priory[:, 2] - boxes_priory[:, 0]) * (boxes_priory[:, 3] - boxes_priory[:, 1])
    size_gt = (boxes_gt[:, 2] - boxes_gt[:, 0]) * (boxes_gt[:, 3] - boxes_gt[:, 1])
    size_total = size_priory[:, None] + size_gt[None, :]
    max_xy = jnp.minimum(boxes_priory[:, None, 2:], boxes_gt[None, :, 2:])
    min_xy = jnp.maximum(boxes_priory[:, None, :2], boxes_gt[None, :, :2])
    clamp = jnp.maximum(max_xy - min_xy, 0.0)
    size_cross = clamp[..., 0] * clamp[..., 1]
    # faithful to the original operator precedence: (cross / total) - cross
    return size_cross / size_total - size_cross


def _encode(matched, priory):
    l_cxcy = ((matched[:, :2] + matched[:, 2:]) / 2.0 - priory[:, :2]) / priory[:, 2:]
    l_wh = jnp.log((matched[:, 2:] - matched[:, :2]) / priory[:, 2:])
    return jnp.concatenate([l_cxcy, l_wh], axis=1)


def _match(truth_boxes, labels, priory_boxes):
    iou = _calculate_iou(_point_form(priory_boxes), truth_boxes)
    best_priory_idx = jnp.argmax(iou, axis=0)
    best_gt_overlap = jnp.max(iou, axis=1)
    best_gt_idx = jnp.argmax(iou, axis=1)
    # (the original's non-inplace index_fill on best_gt_overlap is discarded in torch -> no-op)
    best_gt_idx = best_gt_idx.at[best_priory_idx].set(jnp.arange(labels.shape[0]))
    conf = labels[best_gt_idx] + 1.0
    conf = jnp.where(best_gt_overlap < THRESHHOLD, 0.0, conf)
    matched = truth_boxes[best_gt_idx]
    loc = _encode(matched, priory_boxes)
    return loc, conf


def setup_inputs(seed: int = 0):
    key = jax.random.key(seed)
    k1, k2, k3, k4, k5, k6, k7 = jax.random.split(key, 7)
    B, P, C, O = 32, 8732, NUM_CLASSES, 16
    pred_conf = jax.random.normal(k1, (B, P, C), dtype=jnp.float32)
    pred_loc = jax.random.normal(k2, (B, P, 4), dtype=jnp.float32)
    p_cxy = jax.random.uniform(k3, (P, 2), minval=0.0, maxval=1.0)
    p_wh = jax.random.uniform(k4, (P, 2), minval=0.1, maxval=0.4)
    priory_boxes = jnp.concatenate([p_cxy, p_wh], axis=1)
    t_cxy = jax.random.uniform(k5, (B, O, 2), minval=0.1, maxval=0.9)
    t_wh = jax.random.uniform(k6, (B, O, 2), minval=0.2, maxval=0.5)
    labels = jax.random.randint(k7, (B, O), 0, C - 1).astype(jnp.float32)
    truth = jnp.concatenate([t_cxy - t_wh / 2.0, t_cxy + t_wh / 2.0, labels[..., None]], axis=-1)
    return {"pred_conf": pred_conf, "pred_loc": pred_loc, "priory_boxes": priory_boxes, "truth": truth}


def reference(pred_conf, pred_loc, priory_boxes, truth):
    B, P, C = pred_conf.shape
    loc_t, conf_t = jax.vmap(lambda t: _match(t[:, :4], t[:, 4], priory_boxes))(truth)
    # torch builds loc_t/conf_t as fresh non-grad tensors -> detach
    loc_t = jax.lax.stop_gradient(loc_t)
    conf_t = jax.lax.stop_gradient(conf_t)
    pos = conf_t > 0
    # smooth L1 over positive priors
    diff = jnp.abs(pred_loc - loc_t)
    smooth = jnp.where(diff < 1.0, 0.5 * diff * diff, diff - 0.5)
    loss_loc = jnp.sum(jnp.sum(smooth, axis=-1) * pos.astype(pred_loc.dtype))
    # hard-negative-mining ranking signal
    batch_conf = pred_conf.reshape(-1, C)
    x_max = jax.lax.stop_gradient(jnp.max(batch_conf))
    lse = jnp.log(jnp.sum(jnp.exp(batch_conf - x_max), axis=1, keepdims=True)) + x_max
    conf_idx = conf_t.reshape(-1).astype(jnp.int32)
    gathered = jnp.take_along_axis(batch_conf, conf_idx[:, None], axis=1)
    loss_conf = (lse - gathered).reshape(B, -1)
    loss_conf = jnp.where(pos, 0.0, loss_conf)
    # faithful to the original: idx_rank = indices from ascending sort of loss_conf
    idx_rank = jnp.argsort(loss_conf, axis=1)
    num_pos = jnp.sum(pos.astype(jnp.int32), axis=1, keepdims=True)
    num_neg = jnp.minimum(NEGPOS_RATIO * num_pos, P - 1)
    neg = idx_rank < num_neg
    sel = jnp.logical_or(pos, neg)
    # cross entropy (sum reduction) over selected rows == masked sum of per-row CE
    lse_row = jax.nn.logsumexp(pred_conf, axis=-1)
    tgt = conf_t.astype(jnp.int32)
    picked = jnp.take_along_axis(pred_conf, tgt[..., None], axis=-1)[..., 0]
    ce = lse_row - picked
    loss_c = jnp.sum(ce * sel.astype(pred_conf.dtype))
    N = jnp.sum(num_pos).astype(pred_conf.dtype)
    return (loss_loc / N, loss_c / N)

if __name__ == "__main__":
    import jax
    _d = setup_inputs()
    print(jax.jit(kernel)(*tuple(_d.values())))

</pallas_src>

<mosaic_0001>
#map = affine_map<(d0, d1) -> (0, 0, 0)>
#map1 = affine_map<(d0, d1) -> (0)>
#map2 = affine_map<(d0, d1) -> (0, 0)>
module attributes {stable_mosaic.version = 14 : i64} {
  func.func @_sc_body(%arg0: i32, %arg1: i32, %arg2: memref<32x1x8832xf32, #tpu.memory_space<hbm>>, %arg3: memref<32x1x8832xf32, #tpu.memory_space<hbm>>, %arg4: memref<32xf32, #tpu.memory_space<hbm>>, %arg5: memref<32x16xf32, #tpu.memory_space<hbm>>, %arg6: memref<8832xf32, #tpu.memory_space<vmem>>, %arg7: memref<8832xi32, #tpu.memory_space<vmem>>, %arg8: memref<8832xi32, #tpu.memory_space<vmem>>, %arg9: memref<8832xi32, #tpu.memory_space<vmem>>, %arg10: memref<8832xi32, #tpu.memory_space<vmem>>, %arg11: memref<2048xi32, #tpu.memory_space<vmem>>, %arg12: memref<2048xi32, #tpu.memory_space<vmem>>, %arg13: memref<8832xf32, #tpu.memory_space<vmem>>, %arg14: memref<16xf32, #tpu.memory_space<vmem>>, %arg15: memref<32xf32, #tpu.memory_space<vmem>>) attributes {dimension_semantics = [#tpu.dimension_semantics<core_parallel>, #tpu.dimension_semantics<subcore_parallel>], iteration_bounds = array<i64: 2, 16>, scalar_prefetch = 0 : i64, scratch_operands = 10 : i64, tpu.core_type = #tpu.core_type<sc_vector_subcore>, window_params = [{transform_indices = #map}, {transform_indices = #map}, {transform_indices = #map1}, {transform_indices = #map2}]} {
    %mul3A = arith.constant 2 : i32
    %mul3A_0 = arith.muli %arg1, %mul3A : i32
    %add3A = arith.addi %mul3A_0, %arg0 : i32
    %run_scoped3A = arith.constant 0 : i32
    "tpu.region"() ({
      %run_scoped3A_80 = tpu.sem_alloc : memref<!tpu.dma_semaphore, #tpu.memory_space<semaphore_mem>>
      %dma_start3A = arith.constant 0 : i32
      %dma_start3A_81 = tpu.memref_slice %arg2[%add3A, %run_scoped3A, %dma_start3A] : memref<32x1x8832xf32, #tpu.memory_space<hbm>> -> memref<1x1x8832xf32, #tpu.memory_space<hbm>>
      %dma_start3A_82 = tpu.memref_squeeze %dma_start3A_81 : memref<1x1x8832xf32, #tpu.memory_space<hbm>> -> memref<8832xf32, #tpu.memory_space<hbm>>
      %dma_start3A_83 = arith.constant 0 : i32
      %dma_start3A_84 = tpu.memref_slice %arg2[%add3A, %run_scoped3A, %dma_start3A_83] : memref<32x1x8832xf32, #tpu.memory_space<hbm>> -> memref<1x1x8832xf32, #tpu.memory_space<hbm>>
      %dma_start3A_85 = tpu.memref_squeeze %dma_start3A_84 : memref<1x1x8832xf32, #tpu.memory_space<hbm>> -> memref<8832xf32, #tpu.memory_space<hbm>>
      tpu.enqueue_dma source(%dma_start3A_85 : memref<8832xf32, #tpu.memory_space<hbm>>) target(%arg6 : memref<8832xf32, #tpu.memory_space<vmem>>) target_semaphore(%run_scoped3A_80 : memref<!tpu.dma_semaphore, #tpu.memory_space<semaphore_mem>>)
      %dma_wait3A = arith.constant 0 : i32
      %dma_wait3A_86 = tpu.memref_slice %arg2[%add3A, %run_scoped3A, %dma_wait3A] : memref<32x1x8832xf32, #tpu.memory_space<hbm>> -> memref<1x1x8832xf32, #tpu.memory_space<hbm>>
      %dma_wait3A_87 = tpu.memref_squeeze %dma_wait3A_86 : memref<1x1x8832xf32, #tpu.memory_space<hbm>> -> memref<8832xf32, #tpu.memory_space<hbm>>
      %dma_wait3A_88 = arith.constant 0 : i32
      %dma_wait3A_89 = tpu.memref_slice %arg2[%add3A, %run_scoped3A, %dma_wait3A_88] : memref<32x1x8832xf32, #tpu.memory_space<hbm>> -> memref<1x1x8832xf32, #tpu.memory_space<hbm>>
      %dma_wait3A_90 = tpu.memref_squeeze %dma_wait3A_89 : memref<1x1x8832xf32, #tpu.memory_space<hbm>> -> memref<8832xf32, #tpu.memory_space<hbm>>
      tpu.wait_dma2 semaphore(%run_scoped3A_80 : memref<!tpu.dma_semaphore, #tpu.memory_space<semaphore_mem>>) src(%dma_wait3A_90 : memref<8832xf32, #tpu.memory_space<hbm>>) dst(%arg6 : memref<8832xf32, #tpu.memory_space<vmem>>)
      tpu.yield
    }) : () -> ()
    %run_scoped3A_1 = arith.constant 0 : i32
    "tpu.region"() ({
      %run_scoped3A_80 = tpu.sem_alloc : memref<!tpu.dma_semaphore, #tpu.memory_space<semaphore_mem>>
      %dma_start3A = arith.constant 0 : i32
      %dma_start3A_81 = tpu.memref_slice %arg3[%add3A, %run_scoped3A_1, %dma_start3A] : memref<32x1x8832xf32, #tpu.memory_space<hbm>> -> memref<1x1x8832xf32, #tpu.memory_space<hbm>>
      %dma_start3A_82 = tpu.memref_squeeze %dma_start3A_81 : memref<1x1x8832xf32, #tpu.memory_space<hbm>> -> memref<8832xf32, #tpu.memory_space<hbm>>
      %dma_start3A_83 = arith.constant 0 : i32
      %dma_start3A_84 = tpu.memref_slice %arg3[%add3A, %run_scoped3A_1, %dma_start3A_83] : memref<32x1x8832xf32, #tpu.memory_space<hbm>> -> memref<1x1x8832xf32, #tpu.memory_space<hbm>>
      %dma_start3A_85 = tpu.memref_squeeze %dma_start3A_84 : memref<1x1x8832xf32, #tpu.memory_space<hbm>> -> memref<8832xf32, #tpu.memory_space<hbm>>
      tpu.enqueue_dma source(%dma_start3A_85 : memref<8832xf32, #tpu.memory_space<hbm>>) target(%arg13 : memref<8832xf32, #tpu.memory_space<vmem>>) target_semaphore(%run_scoped3A_80 : memref<!tpu.dma_semaphore, #tpu.memory_space<semaphore_mem>>)
      %dma_wait3A = arith.constant 0 : i32
      %dma_wait3A_86 = tpu.memref_slice %arg3[%add3A, %run_scoped3A_1, %dma_wait3A] : memref<32x1x8832xf32, #tpu.memory_space<hbm>> -> memref<1x1x8832xf32, #tpu.memory_space<hbm>>
      %dma_wait3A_87 = tpu.memref_squeeze %dma_wait3A_86 : memref<1x1x8832xf32, #tpu.memory_space<hbm>> -> memref<8832xf32, #tpu.memory_space<hbm>>
      %dma_wait3A_88 = arith.constant 0 : i32
      %dma_wait3A_89 = tpu.memref_slice %arg3[%add3A, %run_scoped3A_1, %dma_wait3A_88] : memref<32x1x8832xf32, #tpu.memory_space<hbm>> -> memref<1x1x8832xf32, #tpu.memory_space<hbm>>
      %dma_wait3A_90 = tpu.memref_squeeze %dma_wait3A_89 : memref<1x1x8832xf32, #tpu.memory_space<hbm>> -> memref<8832xf32, #tpu.memory_space<hbm>>
      tpu.wait_dma2 semaphore(%run_scoped3A_80 : memref<!tpu.dma_semaphore, #tpu.memory_space<semaphore_mem>>) src(%dma_wait3A_90 : memref<8832xf32, #tpu.memory_space<hbm>>) dst(%arg13 : memref<8832xf32, #tpu.memory_space<vmem>>)
      tpu.yield
    }) : () -> ()
    "tpu.region"() ({
      %run_scoped3A_80 = tpu.sem_alloc : memref<!tpu.dma_semaphore, #tpu.memory_space<semaphore_mem>>
      tpu.enqueue_dma source(%arg4 : memref<32xf32, #tpu.memory_space<hbm>>) target(%arg15 : memref<32xf32, #tpu.memory_space<vmem>>) target_semaphore(%run_scoped3A_80 : memref<!tpu.dma_semaphore, #tpu.memory_space<semaphore_mem>>)
      tpu.wait_dma2 semaphore(%run_scoped3A_80 : memref<!tpu.dma_semaphore, #tpu.memory_space<semaphore_mem>>) src(%arg4 : memref<32xf32, #tpu.memory_space<hbm>>) dst(%arg15 : memref<32xf32, #tpu.memory_space<vmem>>)
      tpu.yield
    }) : () -> ()
    %iota3A = tpu.iota {dimensions = array<i32: 0>} : vector<16xi32>
    %broadcast_in_dim3A = arith.constant -2147483648 : i32
    %broadcast_in_dim3A_2 = vector.broadcast %broadcast_in_dim3A : i32 to vector<16xi32>
    %broadcast_in_dim3A_3 = vector.broadcast %add3A : i32 to vector<16xi32>
    %gather3A = tpu.vector_load_idx %arg15[%broadcast_in_dim3A_3] : memref<32xf32, #tpu.memory_space<vmem>>[vector<16xi32>], vector<16xf32>,
    %mul3A_4 = arith.constant 3.000000e+00 : f32
    %mul3A_5 = vector.broadcast %mul3A_4 : f32 to vector<16xf32>
    %mul3A_6 = arith.mulf %mul3A_5, %gather3A : vector<16xf32>
    %min3A = arith.constant 8.731000e+03 : f32
    %min3A_7 = vector.broadcast %min3A : f32 to vector<16xf32>
    %min3A_8 = arith.minimumf %mul3A_6, %min3A_7 : vector<16xf32>
    %convert_element_type3A = arith.fptosi %min3A_8 : vector<16xf32> to vector<16xi32>
    %scan3A = arith.constant 0 : i32
    %scan3A_9 = arith.constant 0 : i32
    %scan3A_10 = arith.constant 128 : i32
    %scan3A_11 = arith.addi %scan3A_9, %scan3A_10 : i32
    %scan3A_12 = arith.constant 1 : i32
    %scan3A_13 = scf.for %scan3A_80 = %scan3A_9 to %scan3A_11 step %scan3A_12 iter_args(%scan3A_81 = %scan3A) -> (i32)  : i32 {
      %broadcast_in_dim3A_82 = arith.constant 0 : i32
      %broadcast_in_dim3A_83 = vector.broadcast %broadcast_in_dim3A_82 : i32 to vector<16xi32>
      %mul3A_84 = arith.constant 16 : i32
      %mul3A_85 = arith.muli %scan3A_80, %mul3A_84 : i32
      %swap3A_86 = arith.index_cast %mul3A_85 : i32 to index
      %swap3A_87 = tpu.vector_load %arg11[%swap3A_86] {strides = array<i32>} : memref<2048xi32, #tpu.memory_space<vmem>>, vector<16xi32>,
      tpu.vector_store %arg11[%swap3A_86], %broadcast_in_dim3A_83 {strides = array<i32>} : memref<2048xi32, #tpu.memory_space<vmem>>, vector<16xi32>,
      %scan3A_88 = arith.constant 0 : i32
      scf.yield %scan3A_88 : i32
    }
    %scan3A_14 = arith.constant 128 : i32
    %scan3A_15 = arith.constant 0 : i32
    %scan3A_16 = arith.constant 0 : i32
    %scan3A_17 = arith.constant 552 : i32
    %scan3A_18 = arith.addi %scan3A_16, %scan3A_17 : i32
    %scan3A_19 = arith.constant 1 : i32
    %scan3A_20 = scf.for %scan3A_80 = %scan3A_16 to %scan3A_18 step %scan3A_19 iter_args(%scan3A_81 = %scan3A_15) -> (i32)  : i32 {
      %mul3A_82 = arith.constant 16 : i32
      %mul3A_83 = arith.muli %scan3A_80, %mul3A_82 : i32
      %get3A = arith.index_cast %mul3A_83 : i32 to index
      %get3A_84 = tpu.vector_load %arg6[%get3A] {strides = array<i32>} : memref<8832xf32, #tpu.memory_space<vmem>>, vector<16xf32>,
      %bitcast3A = vector.bitcast %get3A_84 : vector<16xf32> to vector<16xi32>
      %shift_right_arithmetic3A = arith.constant 31 : i32
      %shift_right_arithmetic3A_85 = vector.broadcast %shift_right_arithmetic3A : i32 to vector<16xi32>
      %shift_right_arithmetic3A_86 = arith.shrsi %bitcast3A, %shift_right_arithmetic3A_85 : vector<16xi32>
      %or3A = arith.ori %shift_right_arithmetic3A_86, %broadcast_in_dim3A_2 : vector<16xi32>
      %xor3A = arith.xori %bitcast3A, %or3A : vector<16xi32>
      %mul3A_87 = arith.constant 16 : i32
      %mul3A_88 = arith.muli %scan3A_80, %mul3A_87 : i32
      %swap3A_89 = arith.index_cast %mul3A_88 : i32 to index
      %swap3A_90 = tpu.vector_load %arg7[%swap3A_89] {strides = array<i32>} : memref<8832xi32, #tpu.memory_space<vmem>>, vector<16xi32>,
      tpu.vector_store %arg7[%swap3A_89], %xor3A {strides = array<i32>} : memref<8832xi32, #tpu.memory_space<vmem>>, vector<16xi32>,
      %mul3A_91 = arith.constant 16 : i32
      %mul3A_92 = arith.muli %scan3A_80, %mul3A_91 : i32
      %add3A_93 = vector.broadcast %mul3A_92 : i32 to vector<16xi32>
      %add3A_94 = arith.addi %add3A_93, %iota3A : vector<16xi32>
      %mul3A_95 = arith.constant 16 : i32
      %mul3A_96 = arith.muli %scan3A_80, %mul3A_95 : i32
      %swap3A_97 = arith.index_cast %mul3A_96 : i32 to index
      %swap3A_98 = tpu.vector_load %arg8[%swap3A_97] {strides = array<i32>} : memref<8832xi32, #tpu.memory_space<vmem>>, vector<16xi32>,
      tpu.vector_store %arg8[%swap3A_97], %add3A_94 {strides = array<i32>} : memref<8832xi32, #tpu.memory_space<vmem>>, vector<16xi32>,
      %shift_right_logical3A = arith.constant 0 : i32
      %shift_right_logical3A_99 = vector.broadcast %shift_right_logical3A : i32 to vector<16xi32>
      %shift_right_logical3A_100 = arith.shrui %xor3A, %shift_right_logical3A_99 : vector<16xi32>
      %and3A = arith.constant 2047 : i32
      %and3A_101 = vector.broadcast %and3A : i32 to vector<16xi32>
      %and3A_102 = arith.andi %shift_right_logical3A_100, %and3A_101 : vector<16xi32>
      %broadcast_in_dim3A_103 = arith.constant true
      %broadcast_in_dim3A_104 = vector.broadcast %broadcast_in_dim3A_103 : i1 to vector<16xi1>
      %unique3A, %unique3A_105 = tpu.scan_count mask(%broadcast_in_dim3A_104 : vector<16xi1>) value(%and3A_102 : vector<16xi32>) : vector<16xi1>, vector<16xi32>
      tpu.vector_store_idx %arg11[%and3A_102], %unique3A_105 masked %unique3A {add = true} : memref<2048xi32, #tpu.memory_space<vmem>>[vector<16xi32>], vector<16xi32>, vector<16xi1>
      %scan3A_106 = arith.constant 0 : i32
      scf.yield %scan3A_106 : i32
    }
    %scan3A_21 = arith.constant 552 : i32
    %scan3A_22 = arith.constant 0 : i32
    %scan3A_23 = arith.constant 0 : i32
    %scan3A_24 = arith.constant 128 : i32
    %scan3A_25 = arith.addi %scan3A_23, %scan3A_24 : i32
    %scan3A_26 = arith.constant 1 : i32
    %scan3A_27 = scf.for %scan3A_80 = %scan3A_23 to %scan3A_25 step %scan3A_26 iter_args(%scan3A_81 = %scan3A_22) -> (i32)  : i32 {
      %mul3A_82 = arith.constant 16 : i32
      %mul3A_83 = arith.muli %scan3A_80, %mul3A_82 : i32
      %get3A = arith.index_cast %mul3A_83 : i32 to index
      %get3A_84 = tpu.vector_load %arg11[%get3A] {strides = array<i32>} : memref<2048xi32, #tpu.memory_space<vmem>>, vector<16xi32>,
      %broadcast_in_dim3A_85 = arith.constant true
      %broadcast_in_dim3A_86 = vector.broadcast %broadcast_in_dim3A_85 : i1 to vector<16xi1>
      %masked_cumsum3A = tpu.scan <sum>, %get3A_84 masked %broadcast_in_dim3A_86 : vector<16xi32>, vector<16xi1> -> vector<16xi32>
      %sub3A = arith.subi %masked_cumsum3A, %get3A_84 : vector<16xi32>
      %add3A_87 = vector.broadcast %scan3A_81 : i32 to vector<16xi32>
      %add3A_88 = arith.addi %sub3A, %add3A_87 : vector<16xi32>
      %mul3A_89 = arith.constant 16 : i32
      %mul3A_90 = arith.muli %scan3A_80, %mul3A_89 : i32
      %swap3A_91 = arith.index_cast %mul3A_90 : i32 to index
      %swap3A_92 = tpu.vector_load %arg11[%swap3A_91] {strides = array<i32>} : memref<2048xi32, #tpu.memory_space<vmem>>, vector<16xi32>,
      tpu.vector_store %arg11[%swap3A_91], %add3A_88 {strides = array<i32>} : memref<2048xi32, #tpu.memory_space<vmem>>, vector<16xi32>,
      %reduce_sum3A = arith.constant true
      %reduce_sum3A_93 = vector.broadcast %reduce_sum3A : i1 to vector<16xi1>
      %reduce_sum3A_94 = tpu.scan <sum>, %get3A_84 masked %reduce_sum3A_93 : vector<16xi32>, vector<16xi1> -> vector<16xi32>
      %reduce_sum3A_95 = vector.extract %reduce_sum3A_94[15] : i32 from vector<16xi32>
      %add3A_96 = arith.addi %scan3A_81, %reduce_sum3A_95 : i32
      scf.yield %add3A_96 : i32
    }
    %scan3A_28 = arith.constant 128 : i32
    %scan3A_29 = arith.constant 0 : i32
    %scan3A_30 = arith.constant 0 : i32
    %scan3A_31 = arith.constant 128 : i32
    %scan3A_32 = arith.addi %scan3A_30, %scan3A_31 : i32
    %scan3A_33 = arith.constant 1 : i32
    %scan3A_34 = scf.for %scan3A_80 = %scan3A_30 to %scan3A_32 step %scan3A_33 iter_args(%scan3A_81 = %scan3A_29) -> (i32)  : i32 {
      %broadcast_in_dim3A_82 = arith.constant 0 : i32
      %broadcast_in_dim3A_83 = vector.broadcast %broadcast_in_dim3A_82 : i32 to vector<16xi32>
      %mul3A_84 = arith.constant 16 : i32
      %mul3A_85 = arith.muli %scan3A_80, %mul3A_84 : i32
      %swap3A_86 = arith.index_cast %mul3A_85 : i32 to index
      %swap3A_87 = tpu.vector_load %arg12[%swap3A_86] {strides = array<i32>} : memref<2048xi32, #tpu.memory_space<vmem>>, vector<16xi32>,
      tpu.vector_store %arg12[%swap3A_86], %broadcast_in_dim3A_83 {strides = array<i32>} : memref<2048xi32, #tpu.memory_space<vmem>>, vector<16xi32>,
      %scan3A_88 = arith.constant 0 : i32
      scf.yield %scan3A_88 : i32
    }
    %scan3A_35 = arith.constant 128 : i32
    %scan3A_36 = arith.constant 0 : i32
    %scan3A_37 = arith.constant 0 : i32
    %scan3A_38 = arith.constant 552 : i32
    %scan3A_39 = arith.addi %scan3A_37, %scan3A_38 : i32
    %scan3A_40 = arith.constant 1 : i32
    %scan3A_41 = scf.for %scan3A_80 = %scan3A_37 to %scan3A_39 step %scan3A_40 iter_args(%scan3A_81 = %scan3A_36) -> (i32)  : i32 {
      %mul3A_82 = arith.constant 16 : i32
      %mul3A_83 = arith.muli %scan3A_80, %mul3A_82 : i32
      %get3A = arith.index_cast %mul3A_83 : i32 to index
      %get3A_84 = tpu.vector_load %arg7[%get3A] {strides = array<i32>} : memref<8832xi32, #tpu.memory_space<vmem>>, vector<16xi32>,
      %mul3A_85 = arith.constant 16 : i32
      %mul3A_86 = arith.muli %scan3A_80, %mul3A_85 : i32
      %get3A_87 = arith.index_cast %mul3A_86 : i32 to index
      %get3A_88 = tpu.vector_load %arg8[%get3A_87] {strides = array<i32>} : memref<8832xi32, #tpu.memory_space<vmem>>, vector<16xi32>,
      %shift_right_logical3A = arith.constant 0 : i32
      %shift_right_logical3A_89 = vector.broadcast %shift_right_logical3A : i32 to vector<16xi32>
      %shift_right_logical3A_90 = arith.shrui %get3A_84, %shift_right_logical3A_89 : vector<16xi32>
      %and3A = arith.constant 2047 : i32
      %and3A_91 = vector.broadcast %and3A : i32 to vector<16xi32>
      %and3A_92 = arith.andi %shift_right_logical3A_90, %and3A_91 : vector<16xi32>
      %broadcast_in_dim3A_93 = arith.constant true
      %broadcast_in_dim3A_94 = vector.broadcast %broadcast_in_dim3A_93 : i1 to vector<16xi1>
      %unique3A, %unique3A_95 = tpu.scan_count mask(%broadcast_in_dim3A_94 : vector<16xi1>) value(%and3A_92 : vector<16xi32>) : vector<16xi1>, vector<16xi32>
      %gather3A_96 = tpu.vector_load_idx %arg11[%and3A_92] : memref<2048xi32, #tpu.memory_space<vmem>>[vector<16xi32>], vector<16xi32>,
      %add3A_97 = arith.addi %gather3A_96, %unique3A_95 : vector<16xi32>
      %sub3A = arith.constant 1 : i32
      %sub3A_98 = vector.broadcast %sub3A : i32 to vector<16xi32>
      %sub3A_99 = arith.subi %add3A_97, %sub3A_98 : vector<16xi32>
      tpu.vector_store_idx %arg9[%sub3A_99], %get3A_84 : memref<8832xi32, #tpu.memory_space<vmem>>[vector<16xi32>], vector<16xi32>,
      tpu.vector_store_idx %arg10[%sub3A_99], %get3A_88 : memref<8832xi32, #tpu.memory_space<vmem>>[vector<16xi32>], vector<16xi32>,
      tpu.vector_store_idx %arg11[%and3A_92], %unique3A_95 masked %unique3A {add = true} : memref<2048xi32, #tpu.memory_space<vmem>>[vector<16xi32>], vector<16xi32>, vector<16xi1>
      %shift_right_logical3A_100 = arith.constant 11 : i32
      %shift_right_logical3A_101 = vector.broadcast %shift_right_logical3A_100 : i32 to vector<16xi32>
      %shift_right_logical3A_102 = arith.shrui %get3A_84, %shift_right_logical3A_101 : vector<16xi32>
      %and3A_103 = arith.constant 2047 : i32
      %and3A_104 = vector.broadcast %and3A_103 : i32 to vector<16xi32>
      %and3A_105 = arith.andi %shift_right_logical3A_102, %and3A_104 : vector<16xi32>
      %broadcast_in_dim3A_106 = arith.constant true
      %broadcast_in_dim3A_107 = vector.broadcast %broadcast_in_dim3A_106 : i1 to vector<16xi1>
      %unique3A_108, %unique3A_109 = tpu.scan_count mask(%broadcast_in_dim3A_107 : vector<16xi1>) value(%and3A_105 : vector<16xi32>) : vector<16xi1>, vector<16xi32>
      tpu.vector_store_idx %arg12[%and3A_105], %unique3A_109 masked %unique3A_108 {add = true} : memref<2048xi32, #tpu.memory_space<vmem>>[vector<16xi32>], vector<16xi32>, vector<16xi1>
      %scan3A_110 = arith.constant 0 : i32
      scf.yield %scan3A_110 : i32
    }
    %scan3A_42 = arith.constant 552 : i32
    %scan3A_43 = arith.constant 0 : i32
    %scan3A_44 = arith.constant 0 : i32
    %scan3A_45 = arith.constant 128 : i32
    %scan3A_46 = arith.addi %scan3A_44, %scan3A_45 : i32
    %scan3A_47 = arith.constant 1 : i32
    %scan3A_48 = scf.for %scan3A_80 = %scan3A_44 to %scan3A_46 step %scan3A_47 iter_args(%scan3A_81 = %scan3A_43) -> (i32)  : i32 {
      %mul3A_82 = arith.constant 16 : i32
      %mul3A_83 = arith.muli %scan3A_80, %mul3A_82 : i32
      %get3A = arith.index_cast %mul3A_83 : i32 to index
      %get3A_84 = tpu.vector_load %arg12[%get3A] {strides = array<i32>} : memref<2048xi32, #tpu.memory_space<vmem>>, vector<16xi32>,
      %broadcast_in_dim3A_85 = arith.constant true
      %broadcast_in_dim3A_86 = vector.broadcast %broadcast_in_dim3A_85 : i1 to vector<16xi1>
      %masked_cumsum3A = tpu.scan <sum>, %get3A_84 masked %broadcast_in_dim3A_86 : vector<16xi32>, vector<16xi1> -> vector<16xi32>
      %sub3A = arith.subi %masked_cumsum3A, %get3A_84 : vector<16xi32>
      %add3A_87 = vector.broadcast %scan3A_81 : i32 to vector<16xi32>
      %add3A_88 = arith.addi %sub3A, %add3A_87 : vector<16xi32>
      %mul3A_89 = arith.constant 16 : i32
      %mul3A_90 = arith.muli %scan3A_80, %mul3A_89 : i32
      %swap3A_91 = arith.index_cast %mul3A_90 : i32 to index
      %swap3A_92 = tpu.vector_load %arg12[%swap3A_91] {strides = array<i32>} : memref<2048xi32, #tpu.memory_space<vmem>>, vector<16xi32>,
      tpu.vector_store %arg12[%swap3A_91], %add3A_88 {strides = array<i32>} : memref<2048xi32, #tpu.memory_space<vmem>>, vector<16xi32>,
      %reduce_sum3A = arith.constant true
      %reduce_sum3A_93 = vector.broadcast %reduce_sum3A : i1 to vector<16xi1>
      %reduce_sum3A_94 = tpu.scan <sum>, %get3A_84 masked %reduce_sum3A_93 : vector<16xi32>, vector<16xi1> -> vector<16xi32>
      %reduce_sum3A_95 = vector.extract %reduce_sum3A_94[15] : i32 from vector<16xi32>
      %add3A_96 = arith.addi %scan3A_81, %reduce_sum3A_95 : i32
      scf.yield %add3A_96 : i32
    }
    %scan3A_49 = arith.constant 128 : i32
    %scan3A_50 = arith.constant 0 : i32
    %scan3A_51 = arith.constant 0 : i32
    %scan3A_52 = arith.constant 128 : i32
    %scan3A_53 = arith.addi %scan3A_51, %scan3A_52 : i32
    %scan3A_54 = arith.constant 1 : i32
    %scan3A_55 = scf.for %scan3A_80 = %scan3A_51 to %scan3A_53 step %scan3A_54 iter_args(%scan3A_81 = %scan3A_50) -> (i32)  : i32 {
      %broadcast_in_dim3A_82 = arith.constant 0 : i32
      %broadcast_in_dim3A_83 = vector.broadcast %broadcast_in_dim3A_82 : i32 to vector<16xi32>
      %mul3A_84 = arith.constant 16 : i32
      %mul3A_85 = arith.muli %scan3A_80, %mul3A_84 : i32
      %swap3A_86 = arith.index_cast %mul3A_85 : i32 to index
      %swap3A_87 = tpu.vector_load %arg11[%swap3A_86] {strides = array<i32>} : memref<2048xi32, #tpu.memory_space<vmem>>, vector<16xi32>,
      tpu.vector_store %arg11[%swap3A_86], %broadcast_in_dim3A_83 {strides = array<i32>} : memref<2048xi32, #tpu.memory_space<vmem>>, vector<16xi32>,
      %scan3A_88 = arith.constant 0 : i32
      scf.yield %scan3A_88 : i32
    }
    %scan3A_56 = arith.constant 128 : i32
    %scan3A_57 = arith.constant 0 : i32
    %scan3A_58 = arith.constant 0 : i32
    %scan3A_59 = arith.constant 552 : i32
    %scan3A_60 = arith.addi %scan3A_58, %scan3A_59 : i32
    %scan3A_61 = arith.constant 1 : i32
    %scan3A_62 = scf.for %scan3A_80 = %scan3A_58 to %scan3A_60 step %scan3A_61 iter_args(%scan3A_81 = %scan3A_57) -> (i32)  : i32 {
      %mul3A_82 = arith.constant 16 : i32
      %mul3A_83 = arith.muli %scan3A_80, %mul3A_82 : i32
      %get3A = arith.index_cast %mul3A_83 : i32 to index
      %get3A_84 = tpu.vector_load %arg9[%get3A] {strides = array<i32>} : memref<8832xi32, #tpu.memory_space<vmem>>, vector<16xi32>,
      %mul3A_85 = arith.constant 16 : i32
      %mul3A_86 = arith.muli %scan3A_80, %mul3A_85 : i32
      %get3A_87 = arith.index_cast %mul3A_86 : i32 to index
      %get3A_88 = tpu.vector_load %arg10[%get3A_87] {strides = array<i32>} : memref<8832xi32, #tpu.memory_space<vmem>>, vector<16xi32>,
      %shift_right_logical3A = arith.constant 11 : i32
      %shift_right_logical3A_89 = vector.broadcast %shift_right_logical3A : i32 to vector<16xi32>
      %shift_right_logical3A_90 = arith.shrui %get3A_84, %shift_right_logical3A_89 : vector<16xi32>
      %and3A = arith.constant 2047 : i32
      %and3A_91 = vector.broadcast %and3A : i32 to vector<16xi32>
      %and3A_92 = arith.andi %shift_right_logical3A_90, %and3A_91 : vector<16xi32>
      %broadcast_in_dim3A_93 = arith.constant true
      %broadcast_in_dim3A_94 = vector.broadcast %broadcast_in_dim3A_93 : i1 to vector<16xi1>
      %unique3A, %unique3A_95 = tpu.scan_count mask(%broadcast_in_dim3A_94 : vector<16xi1>) value(%and3A_92 : vector<16xi32>) : vector<16xi1>, vector<16xi32>
      %gather3A_96 = tpu.vector_load_idx %arg12[%and3A_92] : memref<2048xi32, #tpu.memory_space<vmem>>[vector<16xi32>], vector<16xi32>,
      %add3A_97 = arith.addi %gather3A_96, %unique3A_95 : vector<16xi32>
      %sub3A = arith.constant 1 : i32
      %sub3A_98 = vector.broadcast %sub3A : i32 to vector<16xi32>
      %sub3A_99 = arith.subi %add3A_97, %sub3A_98 : vector<16xi32>
      tpu.vector_store_idx %arg7[%sub3A_99], %get3A_84 : memref<8832xi32, #tpu.memory_space<vmem>>[vector<16xi32>], vector<16xi32>,
      tpu.vector_store_idx %arg8[%sub3A_99], %get3A_88 : memref<8832xi32, #tpu.memory_space<vmem>>[vector<16xi32>], vector<16xi32>,
      tpu.vector_store_idx %arg12[%and3A_92], %unique3A_95 masked %unique3A {add = true} : memref<2048xi32, #tpu.memory_space<vmem>>[vector<16xi32>], vector<16xi32>, vector<16xi1>
      %shift_right_logical3A_100 = arith.constant 22 : i32
      %shift_right_logical3A_101 = vector.broadcast %shift_right_logical3A_100 : i32 to vector<16xi32>
      %shift_right_logical3A_102 = arith.shrui %get3A_84, %shift_right_logical3A_101 : vector<16xi32>
      %and3A_103 = arith.constant 2047 : i32
      %and3A_104 = vector.broadcast %and3A_103 : i32 to vector<16xi32>
      %and3A_105 = arith.andi %shift_right_logical3A_102, %and3A_104 : vector<16xi32>
      %broadcast_in_dim3A_106 = arith.constant true
      %broadcast_in_dim3A_107 = vector.broadcast %broadcast_in_dim3A_106 : i1 to vector<16xi1>
      %unique3A_108, %unique3A_109 = tpu.scan_count mask(%broadcast_in_dim3A_107 : vector<16xi1>) value(%and3A_105 : vector<16xi32>) : vector<16xi1>, vector<16xi32>
      tpu.vector_store_idx %arg11[%and3A_105], %unique3A_109 masked %unique3A_108 {add = true} : memref<2048xi32, #tpu.memory_space<vmem>>[vector<16xi32>], vector<16xi32>, vector<16xi1>
      %scan3A_110 = arith.constant 0 : i32
      scf.yield %scan3A_110 : i32
    }
    %scan3A_63 = arith.constant 552 : i32
    %scan3A_64 = arith.constant 0 : i32
    %scan3A_65 = arith.constant 0 : i32
    %scan3A_66 = arith.constant 128 : i32
    %scan3A_67 = arith.addi %scan3A_65, %scan3A_66 : i32
    %scan3A_68 = arith.constant 1 : i32
    %scan3A_69 = scf.for %scan3A_80 = %scan3A_65 to %scan3A_67 step %scan3A_68 iter_args(%scan3A_81 = %scan3A_64) -> (i32)  : i32 {
      %mul3A_82 = arith.constant 16 : i32
      %mul3A_83 = arith.muli %scan3A_80, %mul3A_82 : i32
      %get3A = arith.index_cast %mul3A_83 : i32 to index
      %get3A_84 = tpu.vector_load %arg11[%get3A] {strides = array<i32>} : memref<2048xi32, #tpu.memory_space<vmem>>, vector<16xi32>,
      %broadcast_in_dim3A_85 = arith.constant true
      %broadcast_in_dim3A_86 = vector.broadcast %broadcast_in_dim3A_85 : i1 to vector<16xi1>
      %masked_cumsum3A = tpu.scan <sum>, %get3A_84 masked %broadcast_in_dim3A_86 : vector<16xi32>, vector<16xi1> -> vector<16xi32>
      %sub3A = arith.subi %masked_cumsum3A, %get3A_84 : vector<16xi32>
      %add3A_87 = vector.broadcast %scan3A_81 : i32 to vector<16xi32>
      %add3A_88 = arith.addi %sub3A, %add3A_87 : vector<16xi32>
      %mul3A_89 = arith.constant 16 : i32
      %mul3A_90 = arith.muli %scan3A_80, %mul3A_89 : i32
      %swap3A_91 = arith.index_cast %mul3A_90 : i32 to index
      %swap3A_92 = tpu.vector_load %arg11[%swap3A_91] {strides = array<i32>} : memref<2048xi32, #tpu.memory_space<vmem>>, vector<16xi32>,
      tpu.vector_store %arg11[%swap3A_91], %add3A_88 {strides = array<i32>} : memref<2048xi32, #tpu.memory_space<vmem>>, vector<16xi32>,
      %reduce_sum3A = arith.constant true
      %reduce_sum3A_93 = vector.broadcast %reduce_sum3A : i1 to vector<16xi1>
      %reduce_sum3A_94 = tpu.scan <sum>, %get3A_84 masked %reduce_sum3A_93 : vector<16xi32>, vector<16xi1> -> vector<16xi32>
      %reduce_sum3A_95 = vector.extract %reduce_sum3A_94[15] : i32 from vector<16xi32>
      %add3A_96 = arith.addi %scan3A_81, %reduce_sum3A_95 : i32
      scf.yield %add3A_96 : i32
    }
    %scan3A_70 = arith.constant 128 : i32
    %broadcast_in_dim3A_71 = arith.constant 0.000000e+00 : f32
    %broadcast_in_dim3A_72 = vector.broadcast %broadcast_in_dim3A_71 : f32 to vector<16xf32>
    %scan3A_73 = arith.constant 0 : i32
    %scan3A_74 = arith.constant 552 : i32
    %scan3A_75 = arith.addi %scan3A_73, %scan3A_74 : i32
    %scan3A_76 = arith.constant 1 : i32
    %scan3A_77 = scf.for %scan3A_80 = %scan3A_73 to %scan3A_75 step %scan3A_76 iter_args(%scan3A_81 = %broadcast_in_dim3A_72) -> (vector<16xf32>)  : i32 {
      %mul3A_82 = arith.constant 16 : i32
      %mul3A_83 = arith.muli %scan3A_80, %mul3A_82 : i32
      %get3A = arith.index_cast %mul3A_83 : i32 to index
      %get3A_84 = tpu.vector_load %arg7[%get3A] {strides = array<i32>} : memref<8832xi32, #tpu.memory_space<vmem>>, vector<16xi32>,
      %mul3A_85 = arith.constant 16 : i32
      %mul3A_86 = arith.muli %scan3A_80, %mul3A_85 : i32
      %get3A_87 = arith.index_cast %mul3A_86 : i32 to index
      %get3A_88 = tpu.vector_load %arg8[%get3A_87] {strides = array<i32>} : memref<8832xi32, #tpu.memory_space<vmem>>, vector<16xi32>,
      %shift_right_logical3A = arith.constant 22 : i32
      %shift_right_logical3A_89 = vector.broadcast %shift_right_logical3A : i32 to vector<16xi32>
      %shift_right_logical3A_90 = arith.shrui %get3A_84, %shift_right_logical3A_89 : vector<16xi32>
      %and3A = arith.constant 2047 : i32
      %and3A_91 = vector.broadcast %and3A : i32 to vector<16xi32>
      %and3A_92 = arith.andi %shift_right_logical3A_90, %and3A_91 : vector<16xi32>
      %broadcast_in_dim3A_93 = arith.constant true
      %broadcast_in_dim3A_94 = vector.broadcast %broadcast_in_dim3A_93 : i1 to vector<16xi1>
      %unique3A, %unique3A_95 = tpu.scan_count mask(%broadcast_in_dim3A_94 : vector<16xi1>) value(%and3A_92 : vector<16xi32>) : vector<16xi1>, vector<16xi32>
      %gather3A_96 = tpu.vector_load_idx %arg11[%and3A_92] : memref<2048xi32, #tpu.memory_space<vmem>>[vector<16xi32>], vector<16xi32>,
      %add3A_97 = arith.addi %gather3A_96, %unique3A_95 : vector<16xi32>
      %sub3A = arith.constant 1 : i32
      %sub3A_98 = vector.broadcast %sub3A : i32 to vector<16xi32>
      %sub3A_99 = arith.subi %add3A_97, %sub3A_98 : vector<16xi32>
      %gather3A_100 = tpu.vector_load_idx %arg13[%sub3A_99] : memref<8832xf32, #tpu.memory_space<vmem>>[vector<16xi32>], vector<16xf32>,
      tpu.vector_store_idx %arg11[%and3A_92], %unique3A_95 masked %unique3A {add = true} : memref<2048xi32, #tpu.memory_space<vmem>>[vector<16xi32>], vector<16xi32>, vector<16xi1>
      %lt3A = arith.cmpi slt, %get3A_88, %convert_element_type3A : vector<16xi32>
      %jit3A = arith.constant 0.000000e+00 : f32
      %broadcast_in_dim3A_101 = vector.broadcast %jit3A : f32 to vector<16xf32>
      %select_n3A = arith.select %lt3A, %gather3A_100, %broadcast_in_dim3A_101 : vector<16xi1>, vector<16xf32>
      %add3A_102 = arith.addf %scan3A_81, %select_n3A : vector<16xf32>
      scf.yield %add3A_102 : vector<16xf32>
    }
    %scan3A_78 = arith.constant 552 : i32
    %swap3A = arith.constant 0 : index
    %swap3A_79 = tpu.vector_load %arg14[%swap3A] {strides = array<i32>} : memref<16xf32, #tpu.memory_space<vmem>>, vector<16xf32>,
    tpu.vector_store %arg14[%swap3A], %scan3A_77 {strides = array<i32>} : memref<16xf32, #tpu.memory_space<vmem>>, vector<16xf32>,
    "tpu.region"() ({
      %run_scoped3A_80 = tpu.sem_alloc : memref<!tpu.dma_semaphore, #tpu.memory_space<semaphore_mem>>
      %dma_start3A = arith.constant 0 : i32
      %dma_start3A_81 = tpu.memref_slice %arg5[%add3A, %dma_start3A] : memref<32x16xf32, #tpu.memory_space<hbm>> -> memref<1x16xf32, #tpu.memory_space<hbm>>
      %dma_start3A_82 = tpu.memref_squeeze %dma_start3A_81 : memref<1x16xf32, #tpu.memory_space<hbm>> -> memref<16xf32, #tpu.memory_space<hbm>>
      %dma_start3A_83 = arith.constant 0 : i32
      %dma_start3A_84 = tpu.memref_slice %arg5[%add3A, %dma_start3A_83] : memref<32x16xf32, #tpu.memory_space<hbm>> -> memref<1x16xf32, #tpu.memory_space<hbm>>
      %dma_start3A_85 = tpu.memref_squeeze %dma_start3A_84 : memref<1x16xf32, #tpu.memory_space<hbm>> -> memref<16xf32, #tpu.memory_space<hbm>>
      tpu.enqueue_dma source(%arg14 : memref<16xf32, #tpu.memory_space<vmem>>) target(%dma_start3A_85 : memref<16xf32, #tpu.memory_space<hbm>>) target_semaphore(%run_scoped3A_80 : memref<!tpu.dma_semaphore, #tpu.memory_space<semaphore_mem>>)
      %dma_wait3A = arith.constant 0 : i32
      %dma_wait3A_86 = tpu.memref_slice %arg5[%add3A, %dma_wait3A] : memref<32x16xf32, #tpu.memory_space<hbm>> -> memref<1x16xf32, #tpu.memory_space<hbm>>
      %dma_wait3A_87 = tpu.memref_squeeze %dma_wait3A_86 : memref<1x16xf32, #tpu.memory_space<hbm>> -> memref<16xf32, #tpu.memory_space<hbm>>
      %dma_wait3A_88 = arith.constant 0 : i32
      %dma_wait3A_89 = tpu.memref_slice %arg5[%add3A, %dma_wait3A_88] : memref<32x16xf32, #tpu.memory_space<hbm>> -> memref<1x16xf32, #tpu.memory_space<hbm>>
      %dma_wait3A_90 = tpu.memref_squeeze %dma_wait3A_89 : memref<1x16xf32, #tpu.memory_space<hbm>> -> memref<16xf32, #tpu.memory_space<hbm>>
      tpu.wait_dma2 semaphore(%run_scoped3A_80 : memref<!tpu.dma_semaphore, #tpu.memory_space<semaphore_mem>>) src(%arg14 : memref<16xf32, #tpu.memory_space<vmem>>) dst(%dma_wait3A_90 : memref<16xf32, #tpu.memory_space<hbm>>)
      tpu.yield
    }) : () -> ()
    return
  }
}

module attributes {stable_mosaic.version = 14 : i64} {
  func.func @_match_body(%arg0: i32, %arg1: memref<4x8732xf32, #tpu.memory_space<vmem>>, %arg2: memref<1x16x5xf32, #tpu.memory_space<vmem>>, %arg3: memref<1x4x8732xf32, #tpu.memory_space<vmem>>, %arg4: memref<1x1x8832xf32, #tpu.memory_space<vmem>>, %arg5: memref<1x1x1xf32, #tpu.memory_space<smem>>, %arg6: memref<1x1xf32, #tpu.memory_space<smem>>) attributes {dimension_semantics = [#tpu.dimension_semantics<arbitrary>], iteration_bounds = array<i64: 32>, scalar_prefetch = 0 : i64, scratch_operands = 0 : i64, tpu.core_type = #tpu.core_type<tc>, window_params = [{pipeline_mode = #tpu.pipeline_mode<synchronous>, transform_indices = @transform_0, window_bounds = array<i64: 4, 8732>}, {transform_indices = @transform_1, window_bounds = array<i64: 1, 16, 5>}, {transform_indices = @transform_2, window_bounds = array<i64: 1, 4, 8732>}, {transform_indices = @transform_3, window_bounds = array<i64: 1, 1, 8832>}, {transform_indices = @transform_4, window_bounds = array<i64: 1, 1, 1>}, {transform_indices = @transform_5, window_bounds = array<i64: 1, 1>}]} {
    %iota3A = tpu.iota {dimensions = array<i32: 1>} : vector<1x8732xi32>
    %convert_element_type3A = arith.sitofp %iota3A : vector<1x8732xi32> to vector<1x8732xf32>
    %get3A = arith.constant 0 : index
    %get3A_0 = arith.constant 0 : index
    %get3A_1 = vector.load %arg1[%get3A, %get3A_0] : memref<4x8732xf32, #tpu.memory_space<vmem>>, vector<4x8732xf32>
    %slice3A = vector.extract_strided_slice %get3A_1 {offsets = [0, 0], sizes = [1, 8732], strides = [1, 1]} : vector<4x8732xf32> to vector<1x8732xf32>
    %slice3A_2 = vector.extract_strided_slice %get3A_1 {offsets = [1, 0], sizes = [1, 8732], strides = [1, 1]} : vector<4x8732xf32> to vector<1x8732xf32>
    %slice3A_3 = vector.extract_strided_slice %get3A_1 {offsets = [2, 0], sizes = [1, 8732], strides = [1, 1]} : vector<4x8732xf32> to vector<1x8732xf32>
    %slice3A_4 = vector.extract_strided_slice %get3A_1 {offsets = [3, 0], sizes = [1, 8732], strides = [1, 1]} : vector<4x8732xf32> to vector<1x8732xf32>
    %mul3A = arith.constant 5.000000e-01 : f32
    %mul3A_5 = vector.broadcast %mul3A : f32 to vector<1x8732xf32>
    %mul3A_6 = arith.mulf %mul3A_5, %slice3A_3 : vector<1x8732xf32>
    %sub3A = arith.subf %slice3A, %mul3A_6 : vector<1x8732xf32>
    %mul3A_7 = arith.constant 5.000000e-01 : f32
    %mul3A_8 = vector.broadcast %mul3A_7 : f32 to vector<1x8732xf32>
    %mul3A_9 = arith.mulf %mul3A_8, %slice3A_4 : vector<1x8732xf32>
    %sub3A_10 = arith.subf %slice3A_2, %mul3A_9 : vector<1x8732xf32>
    %mul3A_11 = arith.constant 5.000000e-01 : f32
    %mul3A_12 = vector.broadcast %mul3A_11 : f32 to vector<1x8732xf32>
    %mul3A_13 = arith.mulf %mul3A_12, %slice3A_3 : vector<1x8732xf32>
    %add3A = arith.addf %slice3A, %mul3A_13 : vector<1x8732xf32>
    %mul3A_14 = arith.constant 5.000000e-01 : f32
    %mul3A_15 = vector.broadcast %mul3A_14 : f32 to vector<1x8732xf32>
    %mul3A_16 = arith.mulf %mul3A_15, %slice3A_4 : vector<1x8732xf32>
    %add3A_17 = arith.addf %slice3A_2, %mul3A_16 : vector<1x8732xf32>
    %sub3A_18 = arith.subf %add3A, %sub3A : vector<1x8732xf32>
    %sub3A_19 = arith.subf %add3A_17, %sub3A_10 : vector<1x8732xf32>
    %mul3A_20 = arith.mulf %sub3A_18, %sub3A_19 : vector<1x8732xf32>
    %get3A_21 = arith.constant 0 : index
    %get3A_22 = arith.constant 0 : index
    %get3A_23 = arith.constant 0 : index
    %get3A_24 = vector.load %arg2[%get3A_21, %get3A_22, %get3A_23] : memref<1x16x5xf32, #tpu.memory_space<vmem>>, vector<1x16x5xf32>
    %get3A_25 = vector.shape_cast %get3A_24 : vector<1x16x5xf32> to vector<16x5xf32>
    %slice3A_26 = vector.extract_strided_slice %get3A_25 {offsets = [0, 0], sizes = [16, 1], strides = [1, 1]} : vector<16x5xf32> to vector<16x1xf32>
    %slice3A_27 = vector.extract_strided_slice %get3A_25 {offsets = [0, 1], sizes = [16, 1], strides = [1, 1]} : vector<16x5xf32> to vector<16x1xf32>
    %slice3A_28 = vector.extract_strided_slice %get3A_25 {offsets = [0, 2], sizes = [16, 1], strides = [1, 1]} : vector<16x5xf32> to vector<16x1xf32>
    %slice3A_29 = vector.extract_strided_slice %get3A_25 {offsets = [0, 3], sizes = [16, 1], strides = [1, 1]} : vector<16x5xf32> to vector<16x1xf32>
    %sub3A_30 = arith.subf %slice3A_28, %slice3A_26 : vector<16x1xf32>
    %sub3A_31 = arith.subf %slice3A_29, %slice3A_27 : vector<16x1xf32>
    %mul3A_32 = arith.mulf %sub3A_30, %sub3A_31 : vector<16x1xf32>
    %max3A = vector.broadcast %sub3A : vector<1x8732xf32> to vector<16x8732xf32>
    %max3A_33 = vector.broadcast %slice3A_26 : vector<16x1xf32> to vector<16x8732xf32>
    %max3A_34 = arith.maximumf %max3A, %max3A_33 : vector<16x8732xf32>
    %max3A_35 = vector.broadcast %sub3A_10 : vector<1x8732xf32> to vector<16x8732xf32>
    %max3A_36 = vector.broadcast %slice3A_27 : vector<16x1xf32> to vector<16x8732xf32>
    %max3A_37 = arith.maximumf %max3A_35, %max3A_36 : vector<16x8732xf32>
    %min3A = vector.broadcast %add3A : vector<1x8732xf32> to vector<16x8732xf32>
    %min3A_38 = vector.broadcast %slice3A_28 : vector<16x1xf32> to vector<16x8732xf32>
    %min3A_39 = arith.minimumf %min3A, %min3A_38 : vector<16x8732xf32>
    %min3A_40 = vector.broadcast %add3A_17 : vector<1x8732xf32> to vector<16x8732xf32>
    %min3A_41 = vector.broadcast %slice3A_29 : vector<16x1xf32> to vector<16x8732xf32>
    %min3A_42 = arith.minimumf %min3A_40, %min3A_41 : vector<16x8732xf32>
    %sub3A_43 = arith.subf %min3A_39, %max3A_34 : vector<16x8732xf32>
    %max3A_44 = arith.constant 0.000000e+00 : f32
    %max3A_45 = vector.broadcast %max3A_44 : f32 to vector<16x8732xf32>
    %max3A_46 = arith.maximumf %sub3A_43, %max3A_45 : vector<16x8732xf32>
    %sub3A_47 = arith.subf %min3A_42, %max3A_37 : vector<16x8732xf32>
    %max3A_48 = arith.constant 0.000000e+00 : f32
    %max3A_49 = vector.broadcast %max3A_48 : f32 to vector<16x8732xf32>
    %max3A_50 = arith.maximumf %sub3A_47, %max3A_49 : vector<16x8732xf32>
    %mul3A_51 = arith.mulf %max3A_46, %max3A_50 : vector<16x8732xf32>
    %add3A_52 = vector.broadcast %mul3A_20 : vector<1x8732xf32> to vector<16x8732xf32>
    %add3A_53 = vector.broadcast %mul3A_32 : vector<16x1xf32> to vector<16x8732xf32>
    %add3A_54 = arith.addf %add3A_52, %add3A_53 : vector<16x8732xf32>
    %div3A = arith.divf %mul3A_51, %add3A_54 : vector<16x8732xf32>
    %sub3A_55 = arith.subf %div3A, %mul3A_51 : vector<16x8732xf32>
    %iota3A_56 = tpu.iota {dimensions = array<i32: 0>} : vector<16x1xi32>
    %convert_element_type3A_57 = arith.sitofp %iota3A_56 : vector<16x1xi32> to vector<16x1xf32>
    %reduce_max3A = arith.constant dense<0xFF800000> : vector<8732xf32>
    %reduce_max3A_58 = vector.multi_reduction <maximumf>, %sub3A_55, %reduce_max3A [0] : vector<16x8732xf32> to vector<8732xf32>
    %broadcast_in_dim3A = vector.shape_cast %reduce_max3A_58 : vector<8732xf32> to vector<1x8732xf32>
    %eq3A = vector.broadcast %broadcast_in_dim3A : vector<1x8732xf32> to vector<16x8732xf32>
    %eq3A_59 = arith.cmpf oeq, %sub3A_55, %eq3A : vector<16x8732xf32>
    %jit3A = arith.constant 9.900000e+01 : f32
    %broadcast_in_dim3A_60 = vector.shape_cast %convert_element_type3A_57 : vector<16x1xf32> to vector<16x1xf32>
    %broadcast_in_dim3A_61 = vector.broadcast %broadcast_in_dim3A_60 : vector<16x1xf32> to vector<16x8732xf32>
    %broadcast_in_dim3A_62 = vector.broadcast %jit3A : f32 to vector<16x8732xf32>
    %select_n3A = arith.select %eq3A_59, %broadcast_in_dim3A_61, %broadcast_in_dim3A_62 : vector<16x8732xi1>, vector<16x8732xf32>
    %reduce_min3A = arith.constant dense<0x7F800000> : vector<8732xf32>
    %reduce_min3A_63 = vector.multi_reduction <minimumf>, %select_n3A, %reduce_min3A [0] : vector<16x8732xf32> to vector<8732xf32>
    %broadcast_in_dim3A_64 = vector.shape_cast %reduce_min3A_63 : vector<8732xf32> to vector<1x8732xf32>
    %reduce_max3A_65 = arith.constant dense<0xFF800000> : vector<16xf32>
    %reduce_max3A_66 = vector.multi_reduction <maximumf>, %sub3A_55, %reduce_max3A_65 [1] : vector<16x8732xf32> to vector<16xf32>
    %broadcast_in_dim3A_67 = vector.shape_cast %reduce_max3A_66 : vector<16xf32> to vector<16x1xf32>
    %eq3A_68 = vector.broadcast %broadcast_in_dim3A_67 : vector<16x1xf32> to vector<16x8732xf32>
    %eq3A_69 = arith.cmpf oeq, %sub3A_55, %eq3A_68 : vector<16x8732xf32>
    %jit3A_70 = arith.constant 1.000000e+09 : f32
    %broadcast_in_dim3A_71 = vector.shape_cast %convert_element_type3A : vector<1x8732xf32> to vector<1x8732xf32>
    %broadcast_in_dim3A_72 = vector.broadcast %broadcast_in_dim3A_71 : vector<1x8732xf32> to vector<16x8732xf32>
    %broadcast_in_dim3A_73 = vector.broadcast %jit3A_70 : f32 to vector<16x8732xf32>
    %select_n3A_74 = arith.select %eq3A_69, %broadcast_in_dim3A_72, %broadcast_in_dim3A_73 : vector<16x8732xi1>, vector<16x8732xf32>
    %reduce_min3A_75 = arith.constant dense<0x7F800000> : vector<16xf32>
    %reduce_min3A_76 = vector.multi_reduction <minimumf>, %select_n3A_74, %reduce_min3A_75 [1] : vector<16x8732xf32> to vector<16xf32>
    %broadcast_in_dim3A_77 = vector.shape_cast %reduce_min3A_76 : vector<16xf32> to vector<16x1xf32>
    %eq3A_78 = vector.broadcast %convert_element_type3A : vector<1x8732xf32> to vector<16x8732xf32>
    %eq3A_79 = vector.broadcast %broadcast_in_dim3A_77 : vector<16x1xf32> to vector<16x8732xf32>
    %eq3A_80 = arith.cmpf oeq, %eq3A_78, %eq3A_79 : vector<16x8732xf32>
    %jit3A_81 = arith.constant -1.000000e+00 : f32
    %broadcast_in_dim3A_82 = vector.shape_cast %convert_element_type3A_57 : vector<16x1xf32> to vector<16x1xf32>
    %broadcast_in_dim3A_83 = vector.broadcast %broadcast_in_dim3A_82 : vector<16x1xf32> to vector<16x8732xf32>
    %broadcast_in_dim3A_84 = vector.broadcast %jit3A_81 : f32 to vector<16x8732xf32>
    %select_n3A_85 = arith.select %eq3A_80, %broadcast_in_dim3A_83, %broadcast_in_dim3A_84 : vector<16x8732xi1>, vector<16x8732xf32>
    %reduce_max3A_86 = arith.constant dense<0xFF800000> : vector<8732xf32>
    %reduce_max3A_87 = vector.multi_reduction <maximumf>, %select_n3A_85, %reduce_max3A_86 [0] : vector<16x8732xf32> to vector<8732xf32>
    %broadcast_in_dim3A_88 = vector.shape_cast %reduce_max3A_87 : vector<8732xf32> to vector<1x8732xf32>
    %ge3A = arith.constant 0.000000e+00 : f32
    %ge3A_89 = vector.broadcast %ge3A : f32 to vector<1x8732xf32>
    %ge3A_90 = arith.cmpf oge, %broadcast_in_dim3A_88, %ge3A_89 : vector<1x8732xf32>
    %select_n3A_91 = arith.select %ge3A_90, %broadcast_in_dim3A_88, %broadcast_in_dim3A_64 : vector<1x8732xi1>, vector<1x8732xf32>
    %eq3A_92 = vector.broadcast %select_n3A_91 : vector<1x8732xf32> to vector<16x8732xf32>
    %eq3A_93 = vector.broadcast %convert_element_type3A_57 : vector<16x1xf32> to vector<16x8732xf32>
    %eq3A_94 = arith.cmpf oeq, %eq3A_92, %eq3A_93 : vector<16x8732xf32>
    %convert_element_type3A_95 = arith.extui %eq3A_94 : vector<16x8732xi1> to vector<16x8732xi32>
    %convert_element_type3A_96 = arith.sitofp %convert_element_type3A_95 : vector<16x8732xi32> to vector<16x8732xf32>
    %dot_general3A = arith.constant dense<0.000000e+00> : vector<5x8732xf32>
    %dot_general3A_97 = tpu.matmul %get3A_25, %convert_element_type3A_96, %dot_general3A {dimension_numbers = #tpu.dot_dimension_numbers<[0], [0], [1], [1], [0, 1, 1, 1], [], []>, transpose_lhs_hint = false} : vector<16x5xf32>, vector<16x8732xf32>, vector<5x8732xf32> -> vector<5x8732xf32>
    %slice3A_98 = vector.extract_strided_slice %dot_general3A_97 {offsets = [0, 0], sizes = [1, 8732], strides = [1, 1]} : vector<5x8732xf32> to vector<1x8732xf32>
    %slice3A_99 = vector.extract_strided_slice %dot_general3A_97 {offsets = [1, 0], sizes = [1, 8732], strides = [1, 1]} : vector<5x8732xf32> to vector<1x8732xf32>
    %slice3A_100 = vector.extract_strided_slice %dot_general3A_97 {offsets = [2, 0], sizes = [1, 8732], strides = [1, 1]} : vector<5x8732xf32> to vector<1x8732xf32>
    %slice3A_101 = vector.extract_strided_slice %dot_general3A_97 {offsets = [3, 0], sizes = [1, 8732], strides = [1, 1]} : vector<5x8732xf32> to vector<1x8732xf32>
    %slice3A_102 = vector.extract_strided_slice %dot_general3A_97 {offsets = [4, 0], sizes = [1, 8732], strides = [1, 1]} : vector<5x8732xf32> to vector<1x8732xf32>
    %add3A_103 = arith.constant 1.000000e+00 : f32
    %add3A_104 = vector.broadcast %add3A_103 : f32 to vector<1x8732xf32>
    %add3A_105 = arith.addf %slice3A_102, %add3A_104 : vector<1x8732xf32>
    %lt3A = arith.constant 1.000000e-01 : f32
    %lt3A_106 = vector.broadcast %lt3A : f32 to vector<1x8732xf32>
    %lt3A_107 = arith.cmpf olt, %broadcast_in_dim3A, %lt3A_106 : vector<1x8732xf32>
    %jit3A_108 = arith.constant 0.000000e+00 : f32
    %broadcast_in_dim3A_109 = vector.broadcast %jit3A_108 : f32 to vector<1x8732xf32>
    %select_n3A_110 = arith.select %lt3A_107, %broadcast_in_dim3A_109, %add3A_105 : vector<1x8732xi1>, vector<1x8732xf32>
    %gt3A = arith.constant 0.000000e+00 : f32
    %gt3A_111 = vector.broadcast %gt3A : f32 to vector<1x8732xf32>
    %gt3A_112 = arith.cmpf ogt, %select_n3A_110, %gt3A_111 : vector<1x8732xf32>
    %add3A_113 = arith.addf %slice3A_98, %slice3A_100 : vector<1x8732xf32>
    %div3A_114 = arith.constant 2.000000e+00 : f32
    %div3A_115 = vector.broadcast %div3A_114 : f32 to vector<1x8732xf32>
    %div3A_116 = arith.divf %add3A_113, %div3A_115 : vector<1x8732xf32>
    %sub3A_117 = arith.subf %div3A_116, %slice3A : vector<1x8732xf32>
    %div3A_118 = arith.divf %sub3A_117, %slice3A_3 : vector<1x8732xf32>
    %add3A_119 = arith.addf %slice3A_99, %slice3A_101 : vector<1x8732xf32>
    %div3A_120 = arith.constant 2.000000e+00 : f32
    %div3A_121 = vector.broadcast %div3A_120 : f32 to vector<1x8732xf32>
    %div3A_122 = arith.divf %add3A_119, %div3A_121 : vector<1x8732xf32>
    %sub3A_123 = arith.subf %div3A_122, %slice3A_2 : vector<1x8732xf32>
    %div3A_124 = arith.divf %sub3A_123, %slice3A_4 : vector<1x8732xf32>
    %sub3A_125 = arith.subf %slice3A_100, %slice3A_98 : vector<1x8732xf32>
    %div3A_126 = arith.divf %sub3A_125, %slice3A_3 : vector<1x8732xf32>
    %log3A = math.log %div3A_126 : vector<1x8732xf32>
    %sub3A_127 = arith.subf %slice3A_101, %slice3A_99 : vector<1x8732xf32>
    %div3A_128 = arith.divf %sub3A_127, %slice3A_4 : vector<1x8732xf32>
    %log3A_129 = math.log %div3A_128 : vector<1x8732xf32>
    %get3A_130 = arith.constant 0 : index
    %get3A_131 = arith.constant 0 : index
    %get3A_132 = arith.constant 0 : index
    %get3A_133 = vector.load %arg3[%get3A_130, %get3A_131, %get3A_132] : memref<1x4x8732xf32, #tpu.memory_space<vmem>>, vector<1x4x8732xf32>
    %get3A_134 = vector.shape_cast %get3A_133 : vector<1x4x8732xf32> to vector<4x8732xf32>
    %slice3A_135 = vector.extract_strided_slice %get3A_134 {offsets = [0, 0], sizes = [1, 8732], strides = [1, 1]} : vector<4x8732xf32> to vector<1x8732xf32>
    %sub3A_136 = arith.subf %slice3A_135, %div3A_118 : vector<1x8732xf32>
    %abs3A = math.absf %sub3A_136 : vector<1x8732xf32>
    %slice3A_137 = vector.extract_strided_slice %get3A_134 {offsets = [1, 0], sizes = [1, 8732], strides = [1, 1]} : vector<4x8732xf32> to vector<1x8732xf32>
    %sub3A_138 = arith.subf %slice3A_137, %div3A_124 : vector<1x8732xf32>
    %abs3A_139 = math.absf %sub3A_138 : vector<1x8732xf32>
    %slice3A_140 = vector.extract_strided_slice %get3A_134 {offsets = [2, 0], sizes = [1, 8732], strides = [1, 1]} : vector<4x8732xf32> to vector<1x8732xf32>
    %sub3A_141 = arith.subf %slice3A_140, %log3A : vector<1x8732xf32>
    %abs3A_142 = math.absf %sub3A_141 : vector<1x8732xf32>
    %slice3A_143 = vector.extract_strided_slice %get3A_134 {offsets = [3, 0], sizes = [1, 8732], strides = [1, 1]} : vector<4x8732xf32> to vector<1x8732xf32>
    %sub3A_144 = arith.subf %slice3A_143, %log3A_129 : vector<1x8732xf32>
    %abs3A_145 = math.absf %sub3A_144 : vector<1x8732xf32>
    %lt3A_146 = arith.constant 1.000000e+00 : f32
    %lt3A_147 = vector.broadcast %lt3A_146 : f32 to vector<1x8732xf32>
    %lt3A_148 = arith.cmpf olt, %abs3A, %lt3A_147 : vector<1x8732xf32>
    %mul3A_149 = arith.constant 5.000000e-01 : f32
    %mul3A_150 = vector.broadcast %mul3A_149 : f32 to vector<1x8732xf32>
    %mul3A_151 = arith.mulf %mul3A_150, %abs3A : vector<1x8732xf32>
    %mul3A_152 = arith.mulf %mul3A_151, %abs3A : vector<1x8732xf32>
    %sub3A_153 = arith.constant 5.000000e-01 : f32
    %sub3A_154 = vector.broadcast %sub3A_153 : f32 to vector<1x8732xf32>
    %sub3A_155 = arith.subf %abs3A, %sub3A_154 : vector<1x8732xf32>
    %select_n3A_156 = arith.select %lt3A_148, %mul3A_152, %sub3A_155 : vector<1x8732xi1>, vector<1x8732xf32>
    %lt3A_157 = arith.constant 1.000000e+00 : f32
    %lt3A_158 = vector.broadcast %lt3A_157 : f32 to vector<1x8732xf32>
    %lt3A_159 = arith.cmpf olt, %abs3A_139, %lt3A_158 : vector<1x8732xf32>
    %mul3A_160 = arith.constant 5.000000e-01 : f32
    %mul3A_161 = vector.broadcast %mul3A_160 : f32 to vector<1x8732xf32>
    %mul3A_162 = arith.mulf %mul3A_161, %abs3A_139 : vector<1x8732xf32>
    %mul3A_163 = arith.mulf %mul3A_162, %abs3A_139 : vector<1x8732xf32>
    %sub3A_164 = arith.constant 5.000000e-01 : f32
    %sub3A_165 = vector.broadcast %sub3A_164 : f32 to vector<1x8732xf32>
    %sub3A_166 = arith.subf %abs3A_139, %sub3A_165 : vector<1x8732xf32>
    %select_n3A_167 = arith.select %lt3A_159, %mul3A_163, %sub3A_166 : vector<1x8732xi1>, vector<1x8732xf32>
    %add3A_168 = arith.addf %select_n3A_156, %select_n3A_167 : vector<1x8732xf32>
    %lt3A_169 = arith.constant 1.000000e+00 : f32
    %lt3A_170 = vector.broadcast %lt3A_169 : f32 to vector<1x8732xf32>
    %lt3A_171 = arith.cmpf olt, %abs3A_142, %lt3A_170 : vector<1x8732xf32>
    %mul3A_172 = arith.constant 5.000000e-01 : f32
    %mul3A_173 = vector.broadcast %mul3A_172 : f32 to vector<1x8732xf32>
    %mul3A_174 = arith.mulf %mul3A_173, %abs3A_142 : vector<1x8732xf32>
    %mul3A_175 = arith.mulf %mul3A_174, %abs3A_142 : vector<1x8732xf32>
    %sub3A_176 = arith.constant 5.000000e-01 : f32
    %sub3A_177 = vector.broadcast %sub3A_176 : f32 to vector<1x8732xf32>
    %sub3A_178 = arith.subf %abs3A_142, %sub3A_177 : vector<1x8732xf32>
    %select_n3A_179 = arith.select %lt3A_171, %mul3A_175, %sub3A_178 : vector<1x8732xi1>, vector<1x8732xf32>
    %add3A_180 = arith.addf %add3A_168, %select_n3A_179 : vector<1x8732xf32>
    %lt3A_181 = arith.constant 1.000000e+00 : f32
    %lt3A_182 = vector.broadcast %lt3A_181 : f32 to vector<1x8732xf32>
    %lt3A_183 = arith.cmpf olt, %abs3A_145, %lt3A_182 : vector<1x8732xf32>
    %mul3A_184 = arith.constant 5.000000e-01 : f32
    %mul3A_185 = vector.broadcast %mul3A_184 : f32 to vector<1x8732xf32>
    %mul3A_186 = arith.mulf %mul3A_185, %abs3A_145 : vector<1x8732xf32>
    %mul3A_187 = arith.mulf %mul3A_186, %abs3A_145 : vector<1x8732xf32>
    %sub3A_188 = arith.constant 5.000000e-01 : f32
    %sub3A_189 = vector.broadcast %sub3A_188 : f32 to vector<1x8732xf32>
    %sub3A_190 = arith.subf %abs3A_145, %sub3A_189 : vector<1x8732xf32>
    %select_n3A_191 = arith.select %lt3A_183, %mul3A_187, %sub3A_190 : vector<1x8732xi1>, vector<1x8732xf32>
    %add3A_192 = arith.addf %add3A_180, %select_n3A_191 : vector<1x8732xf32>
    %jit3A_193 = arith.constant 0.000000e+00 : f32
    %broadcast_in_dim3A_194 = vector.broadcast %jit3A_193 : f32 to vector<1x8732xf32>
    %select_n3A_195 = arith.select %gt3A_112, %add3A_192, %broadcast_in_dim3A_194 : vector<1x8732xi1>, vector<1x8732xf32>
    %reduce_sum3A = vector.shape_cast %select_n3A_195 : vector<1x8732xf32> to vector<1x1x8732xf32>
    %reduce_sum3A_196 = arith.constant dense<0.000000e+00> : vector<1xf32>
    %reduce_sum3A_197 = vector.multi_reduction <add>, %reduce_sum3A, %reduce_sum3A_196 [1, 2] : vector<1x1x8732xf32> to vector<1xf32>
    %reduce_sum3A_198 = vector.shape_cast %reduce_sum3A_197 : vector<1xf32> to vector<1x1x1xf32>
    %reduce_sum3A_199 = vector.extract %reduce_sum3A_198[0, 0, 0] : f32 from vector<1x1x1xf32>
    %jit3A_200 = arith.constant 1.000000e+00 : f32
    %jit3A_201 = arith.constant 0.000000e+00 : f32
    %broadcast_in_dim3A_202 = vector.broadcast %jit3A_200 : f32 to vector<1x8732xf32>
    %broadcast_in_dim3A_203 = vector.broadcast %jit3A_201 : f32 to vector<1x8732xf32>
    %select_n3A_204 = arith.select %gt3A_112, %broadcast_in_dim3A_202, %broadcast_in_dim3A_203 : vector<1x8732xi1>, vector<1x8732xf32>
    %reduce_sum3A_205 = vector.shape_cast %select_n3A_204 : vector<1x8732xf32> to vector<1x1x8732xf32>
    %reduce_sum3A_206 = arith.constant dense<0.000000e+00> : vector<1xf32>
    %reduce_sum3A_207 = vector.multi_reduction <add>, %reduce_sum3A_205, %reduce_sum3A_206 [1, 2] : vector<1x1x8732xf32> to vector<1xf32>
    %reduce_sum3A_208 = vector.shape_cast %reduce_sum3A_207 : vector<1xf32> to vector<1x1x1xf32>
    %reduce_sum3A_209 = vector.extract %reduce_sum3A_208[0, 0, 0] : f32 from vector<1x1x1xf32>
    %broadcast_in_dim3A_210 = arith.constant 0.000000e+00 : f32
    %broadcast_in_dim3A_211 = vector.broadcast %broadcast_in_dim3A_210 : f32 to vector<1x100xf32>
    %concatenate3A = tpu.concatenate %select_n3A_110, %broadcast_in_dim3A_211 in 1 : vector<1x8732xf32>, vector<1x100xf32> -> vector<1x8832xf32>
    %swap3A = arith.constant 0 : index
    %swap3A_212 = arith.constant 0 : index
    %swap3A_213 = arith.constant 0 : index
    %swap3A_214 = vector.load %arg4[%swap3A, %swap3A_212, %swap3A_213] : memref<1x1x8832xf32, #tpu.memory_space<vmem>>, vector<1x1x8832xf32>
    %swap3A_215 = vector.shape_cast %swap3A_214 : vector<1x1x8832xf32> to vector<1x8832xf32>
    %swap3A_216 = vector.shape_cast %concatenate3A : vector<1x8832xf32> to vector<1x1x8832xf32>
    tpu.vector_store %arg4[%swap3A, %swap3A_212, %swap3A_213], %swap3A_216 {strides = array<i32>} : memref<1x1x8832xf32, #tpu.memory_space<vmem>>, vector<1x1x8832xf32>,
    %swap3A_217 = arith.constant 0 : index
    %swap3A_218 = arith.constant 0 : index
    %swap3A_219 = arith.constant 0 : index
    %swap3A_220 = memref.load %arg5[%swap3A_217, %swap3A_218, %swap3A_219] : memref<1x1x1xf32, #tpu.memory_space<smem>>
    memref.store %reduce_sum3A_209, %arg5[%swap3A_217, %swap3A_218, %swap3A_219] : memref<1x1x1xf32, #tpu.memory_space<smem>>
    %eq3A_221 = arith.constant 0 : i32
    %eq3A_222 = arith.cmpi eq, %arg0, %eq3A_221 : i32
    %convert_element_type3A_223 = arith.extui %eq3A_222 : i1 to i32
    %cond3A = arith.constant 0 : i32
    %cond3A_224 = arith.cmpi ne, %convert_element_type3A_223, %cond3A : i32
    scf.if %cond3A_224 {
      %swap3A_232 = arith.constant 0.000000e+00 : f32
      %swap3A_233 = arith.constant 0 : index
      %swap3A_234 = arith.constant 0 : index
      %swap3A_235 = memref.load %arg6[%swap3A_233, %swap3A_234] : memref<1x1xf32, #tpu.memory_space<smem>>
      memref.store %swap3A_232, %arg6[%swap3A_233, %swap3A_234] : memref<1x1xf32, #tpu.memory_space<smem>>
    } else {
    }
    %get3A_225 = arith.constant 0 : index
    %get3A_226 = arith.constant 0 : index
    %get3A_227 = memref.load %arg6[%get3A_225, %get3A_226] : memref<1x1xf32, #tpu.memory_space<smem>>
    %add3A_228 = arith.addf %get3A_227, %reduce_sum3A_199 : f32
    %swap3A_229 = arith.constant 0 : index
    %swap3A_230 = arith.constant 0 : index
    %swap3A_231 = memref.load %arg6[%swap3A_229, %swap3A_230] : memref<1x1xf32, #tpu.memory_space<smem>>
    memref.store %add3A_228, %arg6[%swap3A_229, %swap3A_230] : memref<1x1xf32, #tpu.memory_space<smem>>
    return
  }
  func.func @transform_0(%arg0: i32) -> (i32, i32) {
    %c0_i32 = arith.constant 0 : i32
    %c0_i32_0 = arith.constant 0 : i32
    %c0_i32_1 = arith.constant 0 : i32
    return %c0_i32, %c0_i32_0 : i32, i32
  }
  func.func @transform_1(%arg0: i32) -> (i32, i32, i32) {
    %c0_i32 = arith.constant 0 : i32
    %c0_i32_0 = arith.constant 0 : i32
    %c0_i32_1 = arith.constant 0 : i32
    return %arg0, %c0_i32, %c0_i32_0 : i32, i32, i32
  }
  func.func @transform_2(%arg0: i32) -> (i32, i32, i32) {
    %c0_i32 = arith.constant 0 : i32
    %c0_i32_0 = arith.constant 0 : i32
    %c0_i32_1 = arith.constant 0 : i32
    return %arg0, %c0_i32, %c0_i32_0 : i32, i32, i32
  }
  func.func @transform_3(%arg0: i32) -> (i32, i32, i32) {
    %c0_i32 = arith.constant 0 : i32
    %c0_i32_0 = arith.constant 0 : i32
    %c0_i32_1 = arith.constant 0 : i32
    return %arg0, %c0_i32, %c0_i32_0 : i32, i32, i32
  }
  func.func @transform_4(%arg0: i32) -> (i32, i32, i32) {
    %c0_i32 = arith.constant 0 : i32
    %c0_i32_0 = arith.constant 0 : i32
    %c0_i32_1 = arith.constant 0 : i32
    return %arg0, %c0_i32, %c0_i32_0 : i32, i32, i32
  }
  func.func @transform_5(%arg0: i32) -> (i32, i32) {
    %c0_i32 = arith.constant 0 : i32
    %c0_i32_0 = arith.constant 0 : i32
    %c0_i32_1 = arith.constant 0 : i32
    return %c0_i32, %c0_i32_0 : i32, i32
  }
}

module attributes {stable_mosaic.version = 14 : i64} {
  func.func @_keys_body(%arg0: i32, %arg1: i32, %arg2: memref<1x21x8732xf32, #tpu.memory_space<vmem>>, %arg3: memref<1x1x8832xf32, #tpu.memory_space<vmem>>, %arg4: memref<1x1x8832xf32, #tpu.memory_space<vmem>>, %arg5: memref<1x1x8832xf32, #tpu.memory_space<vmem>>, %arg6: memref<1x1xf32, #tpu.memory_space<smem>>, %arg7: memref<1xf32, #tpu.memory_space<smem>>) attributes {dimension_semantics = [#tpu.dimension_semantics<arbitrary>, #tpu.dimension_semantics<arbitrary>], iteration_bounds = array<i64: 2, 32>, scalar_prefetch = 0 : i64, scratch_operands = 1 : i64, tpu.core_type = #tpu.core_type<tc>, window_params = [{transform_indices = @transform_0, window_bounds = array<i64: 1, 21, 8732>}, {transform_indices = @transform_1, window_bounds = array<i64: 1, 1, 8832>}, {transform_indices = @transform_2, window_bounds = array<i64: 1, 1, 8832>}, {transform_indices = @transform_3, window_bounds = array<i64: 1, 1, 8832>}, {transform_indices = @transform_4, window_bounds = array<i64: 1, 1>}]} {
    %get3A = arith.constant 0 : index
    %get3A_0 = arith.constant 0 : index
    %get3A_1 = arith.constant 0 : index
    %get3A_2 = vector.load %arg2[%get3A, %get3A_0, %get3A_1] : memref<1x21x8732xf32, #tpu.memory_space<vmem>>, vector<1x21x8732xf32>
    %get3A_3 = vector.shape_cast %get3A_2 : vector<1x21x8732xf32> to vector<21x8732xf32>
    %eq3A = arith.constant 0 : i32
    %eq3A_4 = arith.cmpi eq, %arg0, %eq3A : i32
    %eq3A_5 = arith.constant 0 : i32
    %eq3A_6 = arith.cmpi eq, %arg1, %eq3A_5 : i32
    %and3A = arith.andi %eq3A_4, %eq3A_6 : i1
    %convert_element_type3A = arith.extui %and3A : i1 to i32
    %cond3A = arith.constant 0 : i32
    %cond3A_7 = arith.cmpi ne, %convert_element_type3A, %cond3A : i32
    scf.if %cond3A_7 {
      %swap3A = arith.constant 0xFF800000 : f32
      %swap3A_18 = arith.constant 0 : index
      %swap3A_19 = memref.load %arg7[%swap3A_18] : memref<1xf32, #tpu.memory_space<smem>>
      memref.store %swap3A, %arg7[%swap3A_18] : memref<1xf32, #tpu.memory_space<smem>>
    } else {
    }
    %eq3A_8 = arith.constant 0 : i32
    %eq3A_9 = arith.cmpi eq, %arg0, %eq3A_8 : i32
    %convert_element_type3A_10 = arith.extui %eq3A_9 : i1 to i32
    %cond3A_11 = arith.constant 0 : i32
    %cond3A_12 = arith.cmpi ne, %convert_element_type3A_10, %cond3A_11 : i32
    scf.if %cond3A_12 {
      %get3A_18 = arith.constant 0 : index
      %get3A_19 = memref.load %arg7[%get3A_18] : memref<1xf32, #tpu.memory_space<smem>>
      %reduce_max3A = vector.shape_cast %get3A_3 : vector<21x8732xf32> to vector<1x21x8732xf32>
      %reduce_max3A_20 = arith.constant dense<0xFF800000> : vector<1xf32>
      %reduce_max3A_21 = vector.multi_reduction <maximumf>, %reduce_max3A, %reduce_max3A_20 [1, 2] : vector<1x21x8732xf32> to vector<1xf32>
      %reduce_max3A_22 = vector.shape_cast %reduce_max3A_21 : vector<1xf32> to vector<1x1x1xf32>
      %reduce_max3A_23 = vector.extract %reduce_max3A_22[0, 0, 0] : f32 from vector<1x1x1xf32>
      %max3A = arith.maximumf %get3A_19, %reduce_max3A_23 : f32
      %swap3A = arith.constant 0 : index
      %swap3A_24 = memref.load %arg7[%swap3A] : memref<1xf32, #tpu.memory_space<smem>>
      memref.store %max3A, %arg7[%swap3A] : memref<1xf32, #tpu.memory_space<smem>>
    } else {
    }
    %eq3A_13 = arith.constant 1 : i32
    %eq3A_14 = arith.cmpi eq, %arg0, %eq3A_13 : i32
    %convert_element_type3A_15 = arith.extui %eq3A_14 : i1 to i32
    %cond3A_16 = arith.constant 0 : i32
    %cond3A_17 = arith.cmpi ne, %convert_element_type3A_15, %cond3A_16 : i32
    scf.if %cond3A_17 {
      %get3A_18 = arith.constant 0 : index
      %get3A_19 = memref.load %arg7[%get3A_18] : memref<1xf32, #tpu.memory_space<smem>>
      %sub3A = vector.broadcast %get3A_19 : f32 to vector<21x8732xf32>
      %sub3A_20 = arith.subf %get3A_3, %sub3A : vector<21x8732xf32>
      %exp3A = math.exp %sub3A_20 : vector<21x8732xf32>
      %reduce_sum3A = arith.constant dense<0.000000e+00> : vector<8732xf32>
      %reduce_sum3A_21 = vector.multi_reduction <add>, %exp3A, %reduce_sum3A [0] : vector<21x8732xf32> to vector<8732xf32>
      %broadcast_in_dim3A = vector.shape_cast %reduce_sum3A_21 : vector<8732xf32> to vector<1x8732xf32>
      %log3A = math.log %broadcast_in_dim3A : vector<1x8732xf32>
      %add3A = vector.broadcast %get3A_19 : f32 to vector<1x8732xf32>
      %add3A_22 = arith.addf %log3A, %add3A : vector<1x8732xf32>
      %get3A_23 = arith.constant 0 : index
      %get3A_24 = arith.constant 0 : index
      %get3A_25 = arith.constant 0 : index
      %get3A_26 = vector.load %arg3[%get3A_23, %get3A_24, %get3A_25] : memref<1x1x8832xf32, #tpu.memory_space<vmem>>, vector<1x1x8832xf32>
      %get3A_27 = vector.shape_cast %get3A_26 : vector<1x1x8832xf32> to vector<1x8832xf32>
      %slice3A = vector.extract_strided_slice %get3A_27 {offsets = [0, 0], sizes = [1, 8732], strides = [1, 1]} : vector<1x8832xf32> to vector<1x8732xf32>
      %gt3A = arith.constant 0.000000e+00 : f32
      %gt3A_28 = vector.broadcast %gt3A : f32 to vector<1x8732xf32>
      %gt3A_29 = arith.cmpf ogt, %slice3A, %gt3A_28 : vector<1x8732xf32>
      %iota3A = tpu.iota {dimensions = array<i32: 0>} : vector<21x1xi32>
      %convert_element_type3A_30 = arith.sitofp %iota3A : vector<21x1xi32> to vector<21x1xf32>
      %eq3A_31 = vector.broadcast %convert_element_type3A_30 : vector<21x1xf32> to vector<21x8732xf32>
      %eq3A_32 = vector.broadcast %slice3A : vector<1x8732xf32> to vector<21x8732xf32>
      %eq3A_33 = arith.cmpf oeq, %eq3A_31, %eq3A_32 : vector<21x8732xf32>
      %jit3A = arith.constant 0.000000e+00 : f32
      %broadcast_in_dim3A_34 = vector.broadcast %jit3A : f32 to vector<21x8732xf32>
      %select_n3A = arith.select %eq3A_33, %get3A_3, %broadcast_in_dim3A_34 : vector<21x8732xi1>, vector<21x8732xf32>
      %reduce_sum3A_35 = arith.constant dense<0.000000e+00> : vector<8732xf32>
      %reduce_sum3A_36 = vector.multi_reduction <add>, %select_n3A, %reduce_sum3A_35 [0] : vector<21x8732xf32> to vector<8732xf32>
      %broadcast_in_dim3A_37 = vector.shape_cast %reduce_sum3A_36 : vector<8732xf32> to vector<1x8732xf32>
      %sub3A_38 = arith.subf %add3A_22, %broadcast_in_dim3A_37 : vector<1x8732xf32>
      %jit3A_39 = arith.constant 0.000000e+00 : f32
      %broadcast_in_dim3A_40 = vector.broadcast %jit3A_39 : f32 to vector<1x8732xf32>
      %select_n3A_41 = arith.select %gt3A_29, %broadcast_in_dim3A_40, %sub3A_38 : vector<1x8732xi1>, vector<1x8732xf32>
      %jit3A_42 = arith.constant 0.000000e+00 : f32
      %broadcast_in_dim3A_43 = vector.broadcast %jit3A_42 : f32 to vector<1x8732xf32>
      %select_n3A_44 = arith.select %gt3A_29, %sub3A_38, %broadcast_in_dim3A_43 : vector<1x8732xi1>, vector<1x8732xf32>
      %reduce_sum3A_45 = vector.shape_cast %select_n3A_44 : vector<1x8732xf32> to vector<1x1x8732xf32>
      %reduce_sum3A_46 = arith.constant dense<0.000000e+00> : vector<1xf32>
      %reduce_sum3A_47 = vector.multi_reduction <add>, %reduce_sum3A_45, %reduce_sum3A_46 [1, 2] : vector<1x1x8732xf32> to vector<1xf32>
      %reduce_sum3A_48 = vector.shape_cast %reduce_sum3A_47 : vector<1xf32> to vector<1x1x1xf32>
      %reduce_sum3A_49 = vector.extract %reduce_sum3A_48[0, 0, 0] : f32 from vector<1x1x1xf32>
      %broadcast_in_dim3A_50 = arith.constant 0x7F800000 : f32
      %broadcast_in_dim3A_51 = vector.broadcast %broadcast_in_dim3A_50 : f32 to vector<1x100xf32>
      %concatenate3A = tpu.concatenate %select_n3A_41, %broadcast_in_dim3A_51 in 1 : vector<1x8732xf32>, vector<1x100xf32> -> vector<1x8832xf32>
      %swap3A = arith.constant 0 : index
      %swap3A_52 = arith.constant 0 : index
      %swap3A_53 = arith.constant 0 : index
      %swap3A_54 = vector.load %arg4[%swap3A, %swap3A_52, %swap3A_53] : memref<1x1x8832xf32, #tpu.memory_space<vmem>>, vector<1x1x8832xf32>
      %swap3A_55 = vector.shape_cast %swap3A_54 : vector<1x1x8832xf32> to vector<1x8832xf32>
      %swap3A_56 = vector.shape_cast %concatenate3A : vector<1x8832xf32> to vector<1x1x8832xf32>
      tpu.vector_store %arg4[%swap3A, %swap3A_52, %swap3A_53], %swap3A_56 {strides = array<i32>} : memref<1x1x8832xf32, #tpu.memory_space<vmem>>, vector<1x1x8832xf32>,
      %broadcast_in_dim3A_57 = arith.constant 0.000000e+00 : f32
      %broadcast_in_dim3A_58 = vector.broadcast %broadcast_in_dim3A_57 : f32 to vector<1x100xf32>
      %concatenate3A_59 = tpu.concatenate %select_n3A_41, %broadcast_in_dim3A_58 in 1 : vector<1x8732xf32>, vector<1x100xf32> -> vector<1x8832xf32>
      %swap3A_60 = arith.constant 0 : index
      %swap3A_61 = arith.constant 0 : index
      %swap3A_62 = arith.constant 0 : index
      %swap3A_63 = vector.load %arg5[%swap3A_60, %swap3A_61, %swap3A_62] : memref<1x1x8832xf32, #tpu.memory_space<vmem>>, vector<1x1x8832xf32>
      %swap3A_64 = vector.shape_cast %swap3A_63 : vector<1x1x8832xf32> to vector<1x8832xf32>
      %swap3A_65 = vector.shape_cast %concatenate3A_59 : vector<1x8832xf32> to vector<1x1x8832xf32>
      tpu.vector_store %arg5[%swap3A_60, %swap3A_61, %swap3A_62], %swap3A_65 {strides = array<i32>} : memref<1x1x8832xf32, #tpu.memory_space<vmem>>, vector<1x1x8832xf32>,
      %eq3A_66 = arith.constant 0 : i32
      %eq3A_67 = arith.cmpi eq, %arg1, %eq3A_66 : i32
      %convert_element_type3A_68 = arith.extui %eq3A_67 : i1 to i32
      %cond3A_69 = arith.constant 0 : i32
      %cond3A_70 = arith.cmpi ne, %convert_element_type3A_68, %cond3A_69 : i32
      scf.if %cond3A_70 {
        %swap3A_78 = arith.constant 0.000000e+00 : f32
        %swap3A_79 = arith.constant 0 : index
        %swap3A_80 = arith.constant 0 : index
        %swap3A_81 = memref.load %arg6[%swap3A_79, %swap3A_80] : memref<1x1xf32, #tpu.memory_space<smem>>
        memref.store %swap3A_78, %arg6[%swap3A_79, %swap3A_80] : memref<1x1xf32, #tpu.memory_space<smem>>
      } else {
      }
      %get3A_71 = arith.constant 0 : index
      %get3A_72 = arith.constant 0 : index
      %get3A_73 = memref.load %arg6[%get3A_71, %get3A_72] : memref<1x1xf32, #tpu.memory_space<smem>>
      %add3A_74 = arith.addf %get3A_73, %reduce_sum3A_49 : f32
      %swap3A_75 = arith.constant 0 : index
      %swap3A_76 = arith.constant 0 : index
      %swap3A_77 = memref.load %arg6[%swap3A_75, %swap3A_76] : memref<1x1xf32, #tpu.memory_space<smem>>
      memref.store %add3A_74, %arg6[%swap3A_75, %swap3A_76] : memref<1x1xf32, #tpu.memory_space<smem>>
    } else {
    }
    return
  }
  func.func @transform_0(%arg0: i32, %arg1: i32) -> (i32, i32, i32) {
    %c0_i32 = arith.constant 0 : i32
    %c0_i32_0 = arith.constant 0 : i32
    %c0_i32_1 = arith.constant 0 : i32
    return %arg1, %c0_i32, %c0_i32_0 : i32, i32, i32
  }
  func.func @transform_1(%arg0: i32, %arg1: i32) -> (i32, i32, i32) {
    %c0_i32 = arith.constant 0 : i32
    %c0_i32_0 = arith.constant 0 : i32
    %c0_i32_1 = arith.constant 0 : i32
    return %arg1, %c0_i32, %c0_i32_0 : i32, i32, i32
  }
  func.func @transform_2(%arg0: i32, %arg1: i32) -> (i32, i32, i32) {
    %c0_i32 = arith.constant 0 : i32
    %c0_i32_0 = arith.constant 0 : i32
    %c0_i32_1 = arith.constant 0 : i32
    return %arg1, %c0_i32, %c0_i32_0 : i32, i32, i32
  }
  func.func @transform_3(%arg0: i32, %arg1: i32) -> (i32, i32, i32) {
    %c0_i32 = arith.constant 0 : i32
    %c0_i32_0 = arith.constant 0 : i32
    %c0_i32_1 = arith.constant 0 : i32
    return %arg1, %c0_i32, %c0_i32_0 : i32, i32, i32
  }
  func.func @transform_4(%arg0: i32, %arg1: i32) -> (i32, i32) {
    %c0_i32 = arith.constant 0 : i32
    %c0_i32_0 = arith.constant 0 : i32
    %c0_i32_1 = arith.constant 0 : i32
    return %c0_i32, %c0_i32_0 : i32, i32
  }
}

</mosaic_0001>

<sc_bundles>
// kernel: kernel.5.cloned.1.call-start
scs
__scs_entry_jumppad:
0x0: {  	(pc) =	sbr.rel $0x88, $3  }
0x1: {  	(tag) =	ssettag $0x0;
	lr =	simm.s32 $0x1  }
0x2: {  	[smem:$0x3F9D] =	sst lr;
	_ =	strace $0xD0000000  }
0x3: {  	_ = 	snop  }
0x4: {  	_ = 	snop  }
0x5: {  	_ = 	snop  }
0x6: {  	_ = 	snop  }
0x7: {  	_ = 	snop  }
__scs_overlays_trampoline_lowered:
0x8: {  	[smem:$0x3FAC] =	sst s0  }
0x9: {  	[smem:$0x3FAD] =	sst s1  }
0xa: {  	[smem:$0x3FAE] =	sst s2  }
0xb: {  	[smem:$0x3FAF] =	sst s3  }
0xc: {  	[smem:$0x3FB0] =	sst s4  }
0xd: {  	[smem:$0x3FB1] =	sst s5  }
0xe: {  	[smem:$0x3FB2] =	sst s6  }
0xf: {  	[smem:$0x3FB3] =	sst s7  }
0x10: {  	[smem:$0x3FB4] =	sst s8  }
0x11: {  	[smem:$0x3FB5] =	sst s9;
	s0 =	simm.s32 @!p0 $0x0  }
0x12: {  	s1 =	sld [smem:$0x3F9B];
	s0 =	simm.s32 @p0 $0x1  }
0x13: {  	[smem:$0x3FB6] =	sst s0;
	s0 =	simm.s32 @!p1 $0x0  }
0x14: {  	s2 =	sld [smem:$0x3F9A];
	s0 =	simm.s32 @p1 $0x1  }
0x15: {  	[smem:$0x3FB7] =	sst s0;
	s0 =	simm.s32 @!p2 $0x0  }
0x16: {  	s3 =	sld [smem:$0x3FDB];
	s0 =	simm.s32 @p2 $0x1  }
0x17: {  	s4 =	simm.s32 $0x1BF5;
	[smem:$0x3FB9] =	sst s0  }
0x18: {  	s0 =	sld [smem:$0x3F9C];
	_ =	swait.ge [sflag:s4], $0x0  }
0x19: {  	s7 =	sld [smem:$0x3F9D]  }
0x1a: {  	s8 =	sadd.s32 $0xFFFFE003, lr  }
0x1b: {  	s9 =	sadd.s32 $0xFFFFFEF7, lr;
	s5 =	simm.s32 $0xFFFFFFFF;
	p2 =	slt.u32 s8, $0xFFFFF086  }
0x1c: {  	p1 =	slt.u32 s9, $0xF7A;
	s5 =	simm.s32 @!p2 $0x0  }
0x1d: {  	s5 =	simm.s32 @p1 $0x1;
	p0 =	seq.s32 s7, s2  }
0x1e: {  	s7 =	smul.u32 @!p0 $0xF7A, s2;
	p2 =	seq.s32 @!p0 s5, $0x0  }
0x1f: {  	s9 =	smul.u32 $0xF7A, s1;
	s8 =	simm.s32 @!p0 $0x1BF5;
	p2 =	por !p2, p0  }
0x20: {  	[sflag:s8] =	ssyncset.s32 @!p0 $0xFFFFF086;
	s6 =	sadd.s32 @!p0 s3, s7;
	s7 =	simm.s32 @!p0 $0x108  }
0x21: {  	s3 =	sadd.s32 s3, s9;
	s6 =	sadd.s32 @!p0 $0x88, s6;
	s7 =	simm.s32 @p2 $0x1082  }
0x22: {  	[simem:s7], [sflag:s8] =	dma.local @!p0 [hbm:s6], $0xF7A  }
0x23: {  	s9 =	sor.u32 $0xD0000000, s2;
	s6 =	simm.s32 $0x108;
	_ =	swait.ge @!p0 [sflag:s8], $0x0  }
0x24: {  	s3 =	sadd.s32 $0x88, s3;
	s6 =	simm.s32 @!p1 $0x1082;
	[sflag:s4] =	ssyncset.s32 $0xFFFFF086  }
0x25: {  	[simem:s6], [sflag:s4] =	dma.local [hbm:s3], $0xF7A  }
0x26: {  	[smem:$0x3F9D] =	sst s1;
	(tag) =	ssettag s2;
	_ =	strace s9  }
0x27: {  	s1 =	sld [smem:$0x3FAD]  }
0x28: {  	s2 =	sld [smem:$0x3FAE]  }
0x29: {  	s4 =	sld [smem:$0x3FB0]  }
0x2a: {  	p0 =	seq.s32 s5, $0x0;
	s5 =	sld [smem:$0x3FB1]  }
0x2b: {  	s6 =	sld [smem:$0x3FB2]  }
0x2c: {  	s7 =	sld [smem:$0x3FB3]  }
0x2d: {  	s3 =	simm.s32 $0x108;
	s8 =	sld [smem:$0x3FB4]  }
0x2e: {  	s3 =	simm.s32 @!p0 $0x1082;
	s9 =	sld [smem:$0x3FB5]  }
0x2f: {  	lr =	sadd.s32 s0, s3;
	s0 =	sld [smem:$0x3FAC]  }
0x30: {  	s3 =	sld [smem:$0x3FAF]  }
0x31: {  	[smem:$0x3FB8] =	sst s10  }
0x32: {  	s10 =	sld [smem:$0x3FB6];
	_ =	sdelay $0x3  }
0x33: {  	p0 =	seq.s32 s10, $0x1;
	s10 =	sld [smem:$0x3FB8];
	_ =	sdelay $0x3  }
0x34: {  	[smem:$0x3FB8] =	sst s10  }
0x35: {  	s10 =	sld [smem:$0x3FB7];
	_ =	sdelay $0x3  }
0x36: {  	p1 =	seq.s32 s10, $0x1;
	s10 =	sld [smem:$0x3FB8];
	_ =	sdelay $0x3  }
0x37: {  	[smem:$0x3FB8] =	sst s10  }
0x38: {  	s10 =	sld [smem:$0x3FB9]  }
0x39: {  	_ = 	snop;
	(pc) =	sbr.ind lr, $3  }
0x3a: {  	_ = 	snop  }
0x3b: {  	_ = 	snop  }
0x3c: {  	p2 =	seq.s32 s10, $0x1;
	s10 =	sld [smem:$0x3FB8]  }
0x3d: {  	_ =	shalt  }
0x3e: {  	_ =	shalt  }
0x3f: {  	_ =	shalt  }
0x40: {  	_ =	shalt  }
0x41: {  	_ =	shalt  }
0x42: {  	_ =	shalt  }
0x43: {  	_ =	shalt  }
0x44: {  	_ =	shalt  }
0x45: {  	_ =	shalt  }
0x46: {  	_ =	shalt  }
0x47: {  	_ =	shalt  }
0x48: {  	_ =	shalt  }
0x49: {  	_ =	shalt  }
0x4a: {  	_ =	shalt  }
0x4b: {  	_ =	shalt  }
0x4c: {  	_ =	shalt  }
0x4d: {  	_ =	shalt  }
0x4e: {  	_ =	shalt  }
0x4f: {  	_ =	shalt  }
0x50: {  	_ =	shalt  }
0x51: {  	_ =	shalt  }
0x52: {  	_ =	shalt  }
0x53: {  	_ =	shalt  }
0x54: {  	_ =	shalt  }
0x55: {  	_ =	shalt  }
0x56: {  	_ =	shalt  }
0x57: {  	_ =	shalt  }
0x58: {  	_ =	shalt  }
0x59: {  	_ =	shalt  }
0x5a: {  	_ =	shalt  }
0x5b: {  	_ =	shalt  }
0x5c: {  	_ =	shalt  }
0x5d: {  	_ =	shalt  }
0x5e: {  	_ =	shalt  }
0x5f: {  	_ =	shalt  }
0x60: {  	_ =	shalt  }
0x61: {  	_ =	shalt  }
0x62: {  	_ =	shalt  }
0x63: {  	_ =	shalt  }
0x64: {  	_ =	shalt  }
0x65: {  	_ =	shalt  }
0x66: {  	_ =	shalt  }
0x67: {  	_ =	shalt  }
0x68: {  	_ =	shalt  }
0x69: {  	_ =	shalt  }
0x6a: {  	_ =	shalt  }
0x6b: {  	_ =	shalt  }
0x6c: {  	_ =	shalt  }
0x6d: {  	_ =	shalt  }
0x6e: {  	_ =	shalt  }
0x6f: {  	_ =	shalt  }
0x70: {  	_ =	shalt  }
0x71: {  	_ =	shalt  }
0x72: {  	_ =	shalt  }
0x73: {  	_ =	shalt  }
0x74: {  	_ =	shalt  }
0x75: {  	_ =	shalt  }
0x76: {  	_ =	shalt  }
0x77: {  	_ =	shalt  }
0x78: {  	_ =	shalt  }
0x79: {  	_ =	shalt  }
0x7a: {  	_ =	shalt  }
0x7b: {  	_ =	shalt  }
0x7c: {  	_ =	shalt  }
0x7d: {  	_ =	shalt  }
0x7e: {  	_ =	shalt  }
0x7f: {  	_ =	shalt  }
0x80: {  	_ =	shalt  }
0x81: {  	_ =	shalt  }
0x82: {  	_ =	shalt  }
0x83: {  	_ =	shalt  }
0x84: {  	_ =	shalt  }
0x85: {  	_ =	shalt  }
0x86: {  	_ =	shalt  }
0x87: {  	_ =	shalt  }
.Lfunc_end0:
.L_simem_size_0:
called_computation_lowered:
.L_overlay_start_0:
0x88: {  	s2 =	sld [smem:$0x3FD9]  }
0x89: {  	s3 =	sld [smem:$0x3FFE];
	_ =	sdelay $0x1  }
0x8a: {  	s1 =	srdreg.scid  }
0x8b: {  	s0 =	sand.u32 $0x1, s1  }
0x8c: {  	s16 =	sshll.u32 s0, $0xA;
	s2 =	sadd.s32 s3, s2  }
0x8d: {  	s2 =	sadd.s32 s2, s16  }
0x8e: {  	[smem:$0x3FC4] =	sst s2  }
0x8f: {  	_ = 	snop  }
0x90: {  	(tm) =	ssettm $0x1  }
0x91: {  	s17 =	sld [smem:$0x3FFB];
	_ =	sdelay $0x3  }
0x92: {  	_ =	strace s17  }
0x93: {  	s2 =	sld [smem:$0x3FFC];
	_ =	sdelay $0x3  }
0x94: {  	_ =	strace s2  }
0x95: {  	s2 =	sld [smem:$0x3FFD];
	_ =	sdelay $0x3  }
0x96: {  	_ =	strace s2  }
0x97: {  	_ =	strace $0x8FFFFFFF  }
0x98: {  	s18 =	sld [smem:$0x3FDB];
	_ =	sdelay $0x1  }
0x99: {  	s19 =	simm.s32 $_scs_section_size  }
0x9a: {  	s4 =	simm.s32 $_size__tile_overlayer_lowered;
	s5 =	simm.s32 $_tile_overlayer_lowered  }
0x9b: {  	s22 =	simm.s32 $0x1BFF;
	s21 =	sshll.u32 s5, $0x1;
	s2 =	sadd.s32 s19, s18  }
0x9c: {  	s6 =	simm.s32 $0x0;
	s20 =	sshll.u32 s4, $0x1;
	s4 =	sadd.s32 s21, s2  }
0x9d: {  	[timem:s6], [sflag:s22] =	dma.local [hbm:s4], s20  }
0x9e: {  	_ =	swait.ge [sflag:s22], s20  }
0x9f: {  	s3 =	ssub.s32 $0x0, s20;
	[sflag:s22] =	ssyncset.done $0x0  }
0xa0: {  	[sflag:s22] =	ssyncadd.s32 s3;
	_ =	sdelay $0x1  }
0xa1: {  	s23 =	simm.s32 $0x1B8B  }
0xa2: {  	_ =	swait.ge [sflag:s23], $0x1  }
0xa3: {  	[sflag:s23] =	ssyncset.done $0x0  }
0xa4: {  	s25 =	simm.s32 $0x1B8E;
	s24 =	sld [smem:$0x3FFE];
	[sflag:s23] =	ssyncadd.s32 $0xFFFFFFFF  }
0xa5: {  	s26 =	simm.s32 $execute0_lowered;
	[smem:$0x3FD2] =	sst s25  }
0xa6: {  	s4 =	sshll.u32 s26, $0x1;
	_ =	strace $0x80000046;
	[dreg:$0x1] =	wrdreg $0xFFFFFFFF  }
0xa7: {  	s28 =	simm.s32 $_size_execute0_lowered;
	s2 =	sadd.s32 s2, s4;
	[dreg:$0x0] =	wrdreg $0x0  }
0xa8: {  	s4 =	sshll.u32 s28, $0x1;
	[dreg:$0x2] =	wrdreg s2  }
0xa9: {  	[dreg:$0x3] =	wrdreg s4  }
0xaa: {  	[dreg:$0x4] =	wrdreg $0xC0  }
0xab: {  	_ =	task [dreg:s6], $0x5FFFF  }
0xac: {  	[dreg:$0x1] =	wrdreg $0xFFFFFFFF  }
0xad: {  	[dreg:$0x0] =	wrdreg $0x60  }
0xae: {  	[dreg:$0x2] =	wrdreg s24  }
0xaf: {  	[dreg:$0x3] =	wrdreg $0x9  }
0xb0: {  	_ =	task.clear_ibuf [dreg:s6], $0x4FFFF;
	_ =	strace $0x90000046  }
0xb1: {  	s29 =	simm.s32 $0x9;
	_ =	strace $0x80000048  }
0xb2: {  	_ =	swait.ge [sflag:s29], $0x1  }
0xb3: {  	[sflag:s29] =	ssyncadd.s32 $0xFFFFFFFF  }
0xb4: {  	_ =	strace $0x90000048  }
0xb5: {  	_ =	sfence  }
0xb6: {  	s30 =	sld [smem:$0x0];
	_ =	sdelay $0x2  }
0xb7: {  	s31 =	sshll.u32 s1, $0xD;
	s1 =	sshrl.u32 s1, $0x2  }
0xb8: {  	s3 =	sand.u32 $0x4000, s31;
	s1 =	sadd.s32 s1, s30  }
0xb9: {  	s0 =	sor.u32 s3, s0;
	s1 =	sshll.u32 s1, $0x11  }
0xba: {  	s0 =	sor.u32 s1, s0  }
0xbb: {  	s0 =	sadd.s32 $0x8F2B, s0  }
0xbc: {  	[sflag:s0] =	ssyncadd.remote.s32 $0x1  }
0xbd: {  	_ =	sfence.sel $0xFFFF  }
0xbe: {  	[dreg:$0x0] =	wrdreg $0xFFFFFFFF;
	(pc) =	sbr.abs _section_cstart, $3  }
0xbf: {  	[dreg:$0x1] =	wrdreg $0xFFFFFFFF  }
0xc0: {  	_ =	task.clear_ibuf [dreg:s6], $0x2FFFF;
	_ =	strace $0x9FFFFFFF  }
0xc1: {  	(tm) =	ssettm $0x7FFFFFFF  }
tec
execute0_lowered:
.L_overlay_start_1:
0x0: {  	(tag) =	ssettag $0x1  }
0x1: {  	s1 =	srdreg.scid  }
0x2: {  	s0 =	stileid.u32;
	s4 =	rddreg [dreg:$0x0]  }
0x3: {  	s2 =	simm.s32 $0x0;
	s9 =	simm.s32 $0xBC80;
	s10 =	simm.s32 $0xDF80  }
0x4: {  	s11 =	simm.s32 $0xAC80;
	s12 =	simm.s32 $0x6780;
	s13 =	simm.s32 $0x8A00  }
0x5: {  	s14 =	simm.s32 $0xB480;
	s15 =	simm.s32 $0x2280;
	s17 =	simm.s32 $0xDF00  }
0x6: {  	s3 =	sand.u32 $0x1, s1;
	s5 =	sshll.u32 s0, $0x1;
	s1 =	rddreg [dreg:$0x1]  }
0x7: {  	s18 =	simm.s32 $0x0;
	[smem:$0x7FF] =	sst s2;
	s16 =	sor.u32 s3, s5  }
0x8: {  	_ =	strace $0x80000047;
	s6 =	ssub.s32 $0x2, s3;
	s3 =	sadd.s32 $0x200, s4  }
0x9: {  	s5 =	smul.u32 $0x450, s16;
	s7 =	sshll.u32 s16, $0x4;
	s8 =	sshrl.u32 s6, $0x1  }
0xa: {  	v0 =	vmov s16;
	s16 =	simm.s32 $0x4500;
	s7 =	sadd.s32 s7, s4;
	s8 =	ssub.s32 s6, s8  }
0xb: {  	s5 =	sadd.s32 s5, s4;
	s6 =	sadd.s32 $0x11A00, s7;
	s7 =	smax.u32 s8, $0x1  }
0xc: {  	v1 =	vimm.s32 $0x0;
	v2 =	vlaneseq.u32;
	s8 =	simm.s32 $0x1;
	s4 =	sadd.s32 $0x600, s5;
	s5 =	sadd.s32 $0x9000, s5  }
.LBB2_1:
0xd: {  	[tilespmem:s2], [sflag:$0x1] =	stream.linear.gather [hbm4b:s4+s2], $0x2280, $0x38;
	[tilespmem:$0xE000] =	vst v63  }
0xe: {  	_ =	swait.ge [sflag:s8], $0x2280  }
0xf: {  	[sflag:s8] =	ssyncset.done $0x0  }
0x10: {  	[sflag:s8] =	ssyncadd.s32 $0xFFFFDD80  }
0x11: {  	[tilespmem:s9], [sflag:$0x1] =	stream.linear.gather [hbm4b:s5+s2], $0x2280, $0x38;
	[tilespmem:$0xE000] =	vst v63  }
0x12: {  	_ =	swait.ge [sflag:s8], $0x2280  }
0x13: {  	[sflag:s8] =	ssyncset.done $0x0  }
0x14: {  	[sflag:s8] =	ssyncadd.s32 $0xFFFFDD80  }
0x15: {  	[tilespmem:s10], [sflag:$0x1] =	stream.linear.gather [hbm4b:s3+s2], $0x80, $0x38;
	[tilespmem:$0xE000] =	vst v63  }
0x16: {  	_ =	swait.ge [sflag:s8], $0x80  }
0x17: {  	[sflag:s8] =	ssyncset.done $0x0  }
0x18: {  	[sflag:s8] =	ssyncadd.s32 $0xFFFFFF80  }
0x19: {  	s19 =	simm.s32 $0x0;
	v3 =	vld.idx.msk [tilespmem:v0+s10+$0x0], $0xffff  }
.LBB2_2:
0x1a: {  	p0 =	sne.s32 s19, $0x1FC0  }
.Ltmp0:
0x1b: {  	_ = 	snop;
	(pc) =	sbr.rel @p0 .LBB2_2-.Ltmp0, $3  }
0x1c: {  	_ =	sdelay $0x1  }
0x1d: {  	s20 =	sshra.s32 s19, $0x2  }
0x1e: {  	s19 =	sadd.s32 $0x40, s19;
	[tilespmem:s20+$0xAC80] =	vst v1  }
0x1f: {  	s19 =	simm.s32 $0x0  }
0x20: {  	v4 =	vld [tilespmem:s19+$0x0];
	_ =	sdelay $0x4  }
0x21: {  	v5 =	vshra.s32 v4, $0x1F  }
0x22: {  	v5 =	vor.u32 $0x80000000, v5  }
0x23: {  	v4 =	vxor.u32 v4, v5  }
0x24: {  	v5 =	vand.u32 $0x7FF, v4  }
0x25: {  	(xrf1) =	vunique.msk.u32 $0xffff, v5;
	_ =	sdelay $0xd  }
0x26: {  	_, v6, vm0 =	vpop (xrf1);
	_ =	sdelay $0x2  }
0x27: {  	s21 =	simm.s32 $0x2280  }
0x28: {  	s20 =	simm.s32 $0x4500;
	[tilespmem:s21+$0x0] =	vst v4;
	v4 =	vor.u32 s19, v2  }
0x29: {  	[tilespmem:s20+$0x0] =	vst v4  }
0x2a: {  	s22 =	simm.s32 $0x10;
	[tilespmem:v5+s11+$0x0] =	vst.idx.add.s32.msk vm0, v6  }
0x2b: {  	s23 =	simm.s32 $0x20;
	s24 =	simm.s32 $0x10;
	v4 =	vld [tilespmem:s22+$0x0]  }
.LBB2_4:
0x2c: {  	p0 =	sne.s32 s23, $0x2270;
	_ =	sdelay $0x3  }
0x2d: {  	v5 =	vshra.s32 v4, $0x1F  }
0x2e: {  	v5 =	vor.u32 $0x80000000, v5  }
0x2f: {  	v4 =	vxor.u32 v4, v5  }
0x30: {  	v5 =	vand.u32 $0x7FF, v4  }
0x31: {  	(xrf1) =	vunique.msk.u32 $0xffff, v5;
	_ =	sdelay $0xd  }
0x32: {  	_, v6, vm0 =	vpop (xrf1);
	_ =	sdelay $0x2  }
.Ltmp1:
0x33: {  	s21 =	sadd.s32 $0x10, s21;
	(pc) =	sbr.rel @p0 .LBB2_4-.Ltmp1, $4  }
0x34: {  	s20 =	sadd.s32 $0x10, s20;
	[tilespmem:s21+$0x0] =	vst v4;
	v4 =	vor.u32 s22, v2;
	s22 =	smov.u32 s23  }
0x35: {  	[tilespmem:s20+$0x0] =	vst v4  }
0x36: {  	s24 =	sadd.s32 $0x10, s24;
	[tilespmem:v5+s11+$0x0] =	vst.idx.add.s32.msk vm0, v6  }
0x37: {  	s23 =	sadd.s32 $0x10, s23;
	v4 =	vld [tilespmem:s24+$0x0]  }
0x38: {  	_ =	sdelay $0x3  }
0x39: {  	v5 =	vshra.s32 v4, $0x1F  }
0x3a: {  	v5 =	vor.u32 $0x80000000, v5  }
0x3b: {  	v4 =	vxor.u32 v4, v5  }
0x3c: {  	v5 =	vand.u32 $0x7FF, v4  }
0x3d: {  	(xrf1) =	vunique.msk.u32 $0xffff, v5;
	_ =	sdelay $0xd  }
0x3e: {  	_, v6, vm0 =	vpop (xrf1);
	_ =	sdelay $0x2  }
0x3f: {  	s21 =	sadd.s32 $0x10, s21  }
0x40: {  	s20 =	sadd.s32 $0x10, s20;
	[tilespmem:s21+$0x0] =	vst v4;
	v4 =	vor.u32 s22, v2  }
0x41: {  	[tilespmem:s20+$0x0] =	vst v4  }
0x42: {  	s31 =	simm.s32 $0x0;
	[tilespmem:v5+s11+$0x0] =	vst.idx.add.s32.msk vm0, v6  }
0x43: {  	v4 =	vld [tilespmem:s31+$0xAC80];
	_ =	sdelay $0x4  }
0x44: {  	(xrf0) =	vadd.scan.msk.s32 $0xffff, v4;
	_ =	sdelay $0x5  }
0x45: {  	v5, _, _ =	vpop (xrf0)  }
0x46: {  	(v2sf) =	vpush v5, $0xF  }
0x47: {  	v4 =	vsub.s32 s19, v4  }
0x48: {  	v4 =	vadd.s32 v5, v4  }
0x49: {  	s21 =	simm.s32 $0x80;
	s20 =	simm.s32 $0x10;
	[tilespmem:s31+$0xAC80] =	vst v4  }
.LBB2_6:
0x4a: {  	p0 =	sne.s32 s21, $0x1FC0;
	v4 =	vld [tilespmem:s20+$0xAC80];
	_ =	sdelay $0x4  }
0x4b: {  	(xrf0) =	vadd.scan.msk.s32 $0xffff, v4;
	_ =	sdelay $0x5  }
.Ltmp2:
0x4c: {  	v5, _, _ =	vpop (xrf0);
	s22 =	spop (v2sf);
	(pc) =	sbr.rel @p0 .LBB2_6-.Ltmp2, $4  }
0x4d: {  	(v2sf) =	vpush v5, $0xF;
	s19 =	sadd.s32 s19, s22  }
0x4e: {  	v4 =	vsub.s32 s19, v4  }
0x4f: {  	v4 =	vadd.s32 v5, v4  }
0x50: {  	[tilespmem:s20+$0xAC80] =	vst v4;
	s20 =	sshra.s32 s21, $0x2;
	s21 =	sadd.s32 $0x40, s21  }
0x51: {  	v4 =	vld [tilespmem:s20+$0xAC80];
	_ =	sdelay $0x4  }
0x52: {  	(xrf0) =	vadd.scan.msk.s32 $0xffff, v4;
	_ =	sdelay $0x5  }
0x53: {  	v5, _, _ =	vpop (xrf0)  }
0x54: {  	(v2sf) =	vpush v5, $0xF;
	_ =	sdelay $0xa  }
0x55: {  	s21 =	spop (v2sf)  }
0x56: {  	s19 =	sadd.s32 s19, s21  }
0x57: {  	v4 =	vsub.s32 s19, v4  }
0x58: {  	v4 =	vadd.s32 v5, v4  }
0x59: {  	s19 =	simm.s32 $0x40;
	[tilespmem:s20+$0xAC80] =	vst v4;
	s20 =	simm.s32 $0x0;
	s31 =	spop (v2sf)  }
.LBB2_8:
0x5a: {  	p0 =	sne.s32 s19, $0x1FC0;
	[tilespmem:s20+$0xB480] =	vst v1;
	s20 =	smov.u32 s19;
	s19 =	sadd.s32 $0x40, s19  }
.Ltmp3:
0x5b: {  	(pc) =	sbr.rel @p0 .LBB2_8-.Ltmp3, $2  }
0x5c: {  	_ =	sdelay $0x2  }
0x5d: {  	s20 =	sshra.s32 s20, $0x2  }
0x5e: {  	[tilespmem:s20+$0xB480] =	vst v1;
	s19 =	simm.s32 $0x0  }
0x5f: {  	v4 =	vld [tilespmem:s19+$0x2280];
	_ =	sdelay $0x1  }
0x60: {  	v5 =	vld [tilespmem:s19+$0x4500];
	s19 =	simm.s32 $0x40  }
.LBB2_10:
0x61: {  	p0 =	sne.s32 s19, $0x89C0;
	_ =	sdelay $0x1  }
0x62: {  	v6 =	vand.u32 $0x7FF, v4  }
0x63: {  	(xrf1) =	vunique.msk.u32 $0xffff, v6;
	_ =	sdelay $0x1  }
0x64: {  	v7 =	vshrl.u32 v4, $0xB  }
0x65: {  	v7 =	vand.u32 $0x7FF, v7  }
0x66: {  	(xrf1) =	vunique.msk.u32 $0xffff, v7;
	_ =	sdelay $0x4  }
0x67: {  	v8 =	vld.idx.msk [tilespmem:v6+s11+$0x0], $0xffff;
	_ =	sdelay $0x4  }
0x68: {  	_, v9, vm0 =	vpop (xrf1)  }
0x69: {  	v8 =	vadd.s32 v9, v8  }
0x6a: {  	v8 =	vadd.s32 $0xFFFFFFFF, v8;
	_ =	sdelay $0x1  }
0x6b: {  	_, v10, vm1 =	vpop (xrf1);
	_ =	sdelay $0x2  }
0x6c: {  	[tilespmem:v8+s12+$0x0] =	vst.idx.msk $0xffff, v4  }
0x6d: {  	[tilespmem:v8+s13+$0x0] =	vst.idx.msk $0xffff, v5  }
.Ltmp4:
0x6e: {  	[tilespmem:v6+s11+$0x0] =	vst.idx.add.s32.msk vm0, v9;
	(pc) =	sbr.rel @p0 .LBB2_10-.Ltmp4, $4  }
0x6f: {  	s20 =	sshra.s32 s19, $0x2;
	[tilespmem:v7+s14+$0x0] =	vst.idx.add.s32.msk vm1, v10  }
0x70: {  	v4 =	vld [tilespmem:s20+$0x2280]  }
0x71: {  	v5 =	vld [tilespmem:s20+$0x4500]  }
0x72: {  	s19 =	sadd.s32 $0x40, s19  }
0x73: {  	_ =	sdelay $0x1  }
0x74: {  	v6 =	vand.u32 $0x7FF, v4  }
0x75: {  	(xrf1) =	vunique.msk.u32 $0xffff, v6;
	_ =	sdelay $0x1  }
0x76: {  	v7 =	vshrl.u32 v4, $0xB  }
0x77: {  	v7 =	vand.u32 $0x7FF, v7  }
0x78: {  	(xrf1) =	vunique.msk.u32 $0xffff, v7;
	_ =	sdelay $0x5  }
0x79: {  	v8 =	vld.idx.msk [tilespmem:v6+s11+$0x0], $0xffff;
	_ =	sdelay $0x3  }
0x7a: {  	_, v9, vm0 =	vpop (xrf1)  }
0x7b: {  	v8 =	vadd.s32 v9, v8  }
0x7c: {  	v8 =	vadd.s32 $0xFFFFFFFF, v8;
	_ =	sdelay $0x1  }
0x7d: {  	_, v10, vm1 =	vpop (xrf1);
	_ =	sdelay $0x2  }
0x7e: {  	[tilespmem:v8+s12+$0x0] =	vst.idx.msk $0xffff, v4  }
0x7f: {  	[tilespmem:v8+s13+$0x0] =	vst.idx.msk $0xffff, v5  }
0x80: {  	[tilespmem:v6+s11+$0x0] =	vst.idx.add.s32.msk vm0, v9  }
0x81: {  	s23 =	simm.s32 $0x0;
	[tilespmem:v7+s14+$0x0] =	vst.idx.add.s32.msk vm1, v10  }
0x82: {  	v4 =	vld [tilespmem:s23+$0xB480];
	_ =	sdelay $0x4  }
0x83: {  	(xrf0) =	vadd.scan.msk.s32 $0xffff, v4;
	_ =	sdelay $0x5  }
0x84: {  	v5, _, _ =	vpop (xrf0)  }
0x85: {  	s20 =	simm.s32 $0x0;
	(v2sf) =	vpush v5, $0xF  }
0x86: {  	v4 =	vsub.s32 s20, v4  }
0x87: {  	v4 =	vadd.s32 v5, v4  }
0x88: {  	s19 =	simm.s32 $0x40;
	s21 =	simm.s32 $0x10;
	s22 =	simm.s32 $0x80;
	[tilespmem:s23+$0xB480] =	vst v4  }
.LBB2_12:
0x89: {  	p0 =	sne.s32 s22, $0x1FC0;
	v4 =	vld [tilespmem:s21+$0xB480];
	_ =	sdelay $0x4  }
0x8a: {  	(xrf0) =	vadd.scan.msk.s32 $0xffff, v4;
	_ =	sdelay $0x5  }
.Ltmp5:
0x8b: {  	v5, _, _ =	vpop (xrf0);
	s23 =	spop (v2sf);
	(pc) =	sbr.rel @p0 .LBB2_12-.Ltmp5, $4  }
0x8c: {  	(v2sf) =	vpush v5, $0xF;
	s20 =	sadd.s32 s20, s23  }
0x8d: {  	v4 =	vsub.s32 s20, v4  }
0x8e: {  	v4 =	vadd.s32 v5, v4  }
0x8f: {  	[tilespmem:s21+$0xB480] =	vst v4;
	s21 =	sshra.s32 s22, $0x2;
	s22 =	sadd.s32 $0x40, s22  }
0x90: {  	v4 =	vld [tilespmem:s21+$0xB480];
	_ =	sdelay $0x4  }
0x91: {  	(xrf0) =	vadd.scan.msk.s32 $0xffff, v4;
	_ =	sdelay $0x5  }
0x92: {  	v5, _, _ =	vpop (xrf0)  }
0x93: {  	(v2sf) =	vpush v5, $0xF;
	_ =	sdelay $0xa  }
0x94: {  	s22 =	spop (v2sf)  }
0x95: {  	s20 =	sadd.s32 s20, s22  }
0x96: {  	v4 =	vsub.s32 s20, v4  }
0x97: {  	v4 =	vadd.s32 v5, v4  }
0x98: {  	s20 =	simm.s32 $0x0;
	[tilespmem:s21+$0xB480] =	vst v4;
	s31 =	spop (v2sf)  }
.LBB2_14:
0x99: {  	p0 =	sne.s32 s19, $0x1FC0;
	[tilespmem:s20+$0xAC80] =	vst v1;
	s20 =	smov.u32 s19;
	s19 =	sadd.s32 $0x40, s19  }
.Ltmp6:
0x9a: {  	(pc) =	sbr.rel @p0 .LBB2_14-.Ltmp6, $2  }
0x9b: {  	_ =	sdelay $0x2  }
0x9c: {  	s20 =	sshra.s32 s20, $0x2  }
0x9d: {  	[tilespmem:s20+$0xAC80] =	vst v1;
	s20 =	simm.s32 $0x0  }
0x9e: {  	v4 =	vld [tilespmem:s20+$0x6780];
	_ =	sdelay $0x1  }
0x9f: {  	s19 =	simm.s32 $0x0;
	s21 =	simm.s32 $0x40;
	v5 =	vld [tilespmem:s20+$0x8A00]  }
.LBB2_16:
0xa0: {  	p0 =	sne.s32 s21, $0x89C0;
	_ =	sdelay $0x1  }
0xa1: {  	v6 =	vshrl.u32 v4, $0xB  }
0xa2: {  	v6 =	vand.u32 $0x7FF, v6  }
0xa3: {  	(xrf1) =	vunique.msk.u32 $0xffff, v6;
	_ =	sdelay $0x2  }
0xa4: {  	v7 =	vshrl.u32 v4, $0x16  }
0xa5: {  	(xrf1) =	vunique.msk.u32 $0xffff, v7;
	_ =	sdelay $0x4  }
0xa6: {  	v8 =	vld.idx.msk [tilespmem:v6+s14+$0x0], $0xffff;
	_ =	sdelay $0x4  }
0xa7: {  	_, v9, vm0 =	vpop (xrf1)  }
0xa8: {  	v8 =	vadd.s32 v9, v8  }
0xa9: {  	v8 =	vadd.s32 $0xFFFFFFFF, v8;
	_ =	sdelay $0x1  }
0xaa: {  	_, v10, vm1 =	vpop (xrf1);
	_ =	sdelay $0x2  }
0xab: {  	[tilespmem:v8+s15+$0x0] =	vst.idx.msk $0xffff, v4  }
0xac: {  	[tilespmem:v8+s16+$0x0] =	vst.idx.msk $0xffff, v5  }
.Ltmp7:
0xad: {  	[tilespmem:v6+s14+$0x0] =	vst.idx.add.s32.msk vm0, v9;
	(pc) =	sbr.rel @p0 .LBB2_16-.Ltmp7, $4  }
0xae: {  	s22 =	sshra.s32 s21, $0x2;
	[tilespmem:v7+s11+$0x0] =	vst.idx.add.s32.msk vm1, v10  }
0xaf: {  	v4 =	vld [tilespmem:s22+$0x6780]  }
0xb0: {  	v5 =	vld [tilespmem:s22+$0x8A00]  }
0xb1: {  	s21 =	sadd.s32 $0x40, s21  }
0xb2: {  	_ =	sdelay $0x1  }
0xb3: {  	v6 =	vshrl.u32 v4, $0xB  }
0xb4: {  	v6 =	vand.u32 $0x7FF, v6  }
0xb5: {  	(xrf1) =	vunique.msk.u32 $0xffff, v6;
	_ =	sdelay $0x2  }
0xb6: {  	v7 =	vshrl.u32 v4, $0x16  }
0xb7: {  	(xrf1) =	vunique.msk.u32 $0xffff, v7;
	_ =	sdelay $0x5  }
0xb8: {  	v8 =	vld.idx.msk [tilespmem:v6+s14+$0x0], $0xffff;
	_ =	sdelay $0x3  }
0xb9: {  	_, v9, vm0 =	vpop (xrf1)  }
0xba: {  	v8 =	vadd.s32 v9, v8  }
0xbb: {  	v8 =	vadd.s32 $0xFFFFFFFF, v8;
	_ =	sdelay $0x1  }
0xbc: {  	_, v10, vm1 =	vpop (xrf1);
	_ =	sdelay $0x2  }
0xbd: {  	[tilespmem:v8+s15+$0x0] =	vst.idx.msk $0xffff, v4  }
0xbe: {  	[tilespmem:v8+s16+$0x0] =	vst.idx.msk $0xffff, v5  }
0xbf: {  	[tilespmem:v6+s14+$0x0] =	vst.idx.add.s32.msk vm0, v9  }
0xc0: {  	[tilespmem:v7+s11+$0x0] =	vst.idx.add.s32.msk vm1, v10  }
0xc1: {  	v4 =	vld [tilespmem:s20+$0xAC80];
	_ =	sdelay $0x4  }
0xc2: {  	(xrf0) =	vadd.scan.msk.s32 $0xffff, v4;
	_ =	sdelay $0x5  }
0xc3: {  	v5, _, _ =	vpop (xrf0)  }
0xc4: {  	(v2sf) =	vpush v5, $0xF  }
0xc5: {  	v4 =	vsub.s32 s19, v4  }
0xc6: {  	v4 =	vadd.s32 v5, v4  }
0xc7: {  	s21 =	simm.s32 $0x10;
	s22 =	simm.s32 $0x80;
	[tilespmem:s20+$0xAC80] =	vst v4  }
.LBB2_18:
0xc8: {  	p0 =	sne.s32 s22, $0x1FC0;
	v4 =	vld [tilespmem:s21+$0xAC80];
	_ =	sdelay $0x4  }
0xc9: {  	(xrf0) =	vadd.scan.msk.s32 $0xffff, v4;
	_ =	sdelay $0x5  }
.Ltmp8:
0xca: {  	v5, _, _ =	vpop (xrf0);
	s20 =	spop (v2sf);
	(pc) =	sbr.rel @p0 .LBB2_18-.Ltmp8, $4  }
0xcb: {  	(v2sf) =	vpush v5, $0xF;
	s19 =	sadd.s32 s19, s20  }
0xcc: {  	v4 =	vsub.s32 s19, v4  }
0xcd: {  	v4 =	vadd.s32 v5, v4  }
0xce: {  	[tilespmem:s21+$0xAC80] =	vst v4;
	s21 =	sshra.s32 s22, $0x2;
	s22 =	sadd.s32 $0x40, s22  }
0xcf: {  	_ =	sdelay $0x1  }
0xd0: {  	v4 =	vld [tilespmem:s21+$0xAC80];
	_ =	sdelay $0x4  }
0xd1: {  	(xrf0) =	vadd.scan.msk.s32 $0xffff, v4;
	_ =	sdelay $0x3  }
0xd2: {  	s20 =	spop (v2sf)  }
0xd3: {  	s19 =	sadd.s32 s19, s20  }
0xd4: {  	v6, _, _ =	vpop (xrf0);
	v4 =	vsub.s32 s19, v4  }
0xd5: {  	v4 =	vadd.s32 v6, v4  }
0xd6: {  	s19 =	simm.s32 $0x0;
	[tilespmem:s21+$0xAC80] =	vst v4  }
0xd7: {  	v4 =	vld [tilespmem:s19+$0x2280];
	_ =	sdelay $0x4  }
0xd8: {  	v5 =	vshrl.u32 v4, $0x16  }
0xd9: {  	(xrf1) =	vunique.msk.u32 $0xffff, v5  }
0xda: {  	(v2sf) =	vpush v6, $0xF;
	_ =	sdelay $0x8  }
0xdb: {  	v4 =	vld.idx.msk [tilespmem:v5+s11+$0x0], $0xffff;
	_ =	sdelay $0x1  }
0xdc: {  	v3 =	vmul.f32 $3.000000000e+00, v3;
	_ =	sdelay $0x1  }
0xdd: {  	v3 =	vmin.f32 v3, $8.731000000e+03;
	_, v6, vm0 =	vpop (xrf1)  }
0xde: {  	v3 =	vtrunc.f32 v3;
	v7 =	vadd.s32 v6, v4  }
0xdf: {  	v3 =	vcvt.f32.s32 v3;
	s20 =	simm.s32 $0x40;
	s21 =	simm.s32 $0x80;
	s31 =	spop (v2sf);
	v4 =	vimm.f32 $0.0e+00;
	v7 =	vadd.s32 $0xFFFFFFFF, v7  }
.LBB2_20:
0xe0: {  	p0 =	sne.s32 s21, $0x89C0;
	_ =	sdelay $0x2  }
0xe1: {  	v8 =	vld [tilespmem:s19+$0x4500]  }
0xe2: {  	v7 =	vld.idx.msk [tilespmem:v7+s9+$0x0], $0xffff  }
0xe3: {  	s19 =	sshra.s32 s20, $0x2;
	s20 =	smov.u32 s21;
	[tilespmem:v5+s11+$0x0] =	vst.idx.add.s32.msk vm0, v6  }
0xe4: {  	v5 =	vld [tilespmem:s19+$0x2280];
	_ =	sdelay $0x1  }
0xe5: {  	vm0 =	vlt.s32 v8, v3;
	_ =	sdelay $0x1  }
0xe6: {  	v6 =	vnsel vm0, $0x0, v7  }
0xe7: {  	v4 =	vadd.f32 v6, v4;
	v5 =	vshrl.u32 v5, $0x16  }
0xe8: {  	(xrf1) =	vunique.msk.u32 $0xffff, v5;
	_ =	sdelay $0x8  }
0xe9: {  	v7 =	vld.idx.msk [tilespmem:v5+s11+$0x0], $0xffff;
	_ =	sdelay $0x2  }
.Ltmp9:
0xea: {  	(pc) =	sbr.rel @p0 .LBB2_20-.Ltmp9, $4  }
0xeb: {  	_ = 	snop  }
0xec: {  	_, v6, vm0 =	vpop (xrf1)  }
0xed: {  	v7 =	vadd.s32 v6, v7  }
0xee: {  	s21 =	sadd.s32 $0x40, s21;
	v7 =	vadd.s32 $0xFFFFFFFF, v7  }
0xef: {  	_ =	sdelay $0x2  }
0xf0: {  	v8 =	vld [tilespmem:s19+$0x4500]  }
0xf1: {  	v7 =	vld.idx.msk [tilespmem:v7+s9+$0x0], $0xffff  }
0xf2: {  	s31 =	sshra.s32 s20, $0x2;
	[tilespmem:v5+s11+$0x0] =	vst.idx.add.s32.msk vm0, v6  }
0xf3: {  	v5 =	vld [tilespmem:s31+$0x2280];
	_ =	sdelay $0x4  }
0xf4: {  	v5 =	vshrl.u32 v5, $0x16  }
0xf5: {  	(xrf1) =	vunique.msk.u32 $0xffff, v5;
	_ =	sdelay $0x9  }
0xf6: {  	v6 =	vld.idx.msk [tilespmem:v5+s11+$0x0], $0xffff;
	_ =	sdelay $0x3  }
0xf7: {  	_, v9, vm14 =	vpop (xrf1)  }
0xf8: {  	v6 =	vadd.s32 v9, v6  }
0xf9: {  	v6 =	vadd.s32 $0xFFFFFFFF, v6;
	_ =	sdelay $0x3  }
0xfa: {  	v10 =	vld [tilespmem:s31+$0x4500]  }
0xfb: {  	v6 =	vld.idx.msk [tilespmem:v6+s9+$0x0], $0xffff;
	_ =	sdelay $0x1  }
0xfc: {  	vm1 =	vlt.s32 v8, v3  }
0xfd: {  	v7 =	vnsel vm1, $0x0, v7  }
0xfe: {  	vm15 =	vlt.s32 v10, v3;
	v4 =	vadd.f32 v7, v4  }
0xff: {  	v3 =	vnsel vm15, $0x0, v6  }
0x100: {  	s18 =	sadd.s32 $0x1, s18;
	v3 =	vadd.f32 v3, v4  }
0x101: {  	p0 =	sne.s32 s18, s7;
	[tilespmem:v5+s11+$0x0] =	vst.idx.add.s32.msk vm14, v9  }
.Ltmp10:
0x102: {  	[tilespmem:$0xDF00] =	vst v3;
	(pc) =	sbr.rel @p0 .LBB2_1-.Ltmp10, $4  }
0x103: {  	[hbm4b:s6+s2] =	stream.linear.scatter [tilespmem:s17], [sflag:$0x1], $0x80, $0x38;
	[tilespmem:$0xE000] =	vst v63  }
0x104: {  	_ =	swait.ge [sflag:s8], $0x80  }
0x105: {  	[sflag:s8] =	ssyncset.done $0x0  }
0x106: {  	[sflag:s8] =	ssyncadd.s32 $0xFFFFFF80  }
0x107: {  	_ =	sfence.sel $0x180000  }
0x108: {  	[bflag:$0x0] =	sbarrier.arrive $0xFFFF  }
0x109: {  	p0 =	sne.s32 s0, $0x0;
	_ =	strace $0x90000047  }
0x10a: {  	s0 =	sadd.s32 @!p0 $0x100000, s1;
	[bflag:$0x2] =	sbarrier.arrive $0xFFFF  }
0x10b: {  	[sflag:s0] =	ssyncadd.tile.s32 @!p0 $0x1;
	_ =	shalt  }
.Lfunc_end2:
_tile_overlayer_lowered:
.L_overlay_start_2:
0x10c: {  	(tag) =	ssettag $0x2  }
0x10d: {  	s0 =	rddreg [dreg:$0x0];
	s2 =	stileid.u32  }
0x10e: {  	s1 =	rddreg [dreg:$0x1];
	p0 =	sne.s32 s2, $0x0  }
0x10f: {  	s3 =	rddreg [dreg:$0x2];
	[bflag:$0x3] =	sbarrier.arrive $0xFFFF;
	s2 =	simm.s32 @!p0 $0x1C01  }
0x110: {  	[timem:s3], [sflag:s2] =	dma.local @!p0 [hbm:s0], s1  }
0x111: {  	s0 =	simm.s32 @!p0 $0x1  }
0x112: {  	_ =	swait.ge @!p0 [sflag:s0], s1  }
0x113: {  	s1 =	ssub.s32 @!p0 $0x0, s1;
	[sflag:s0] =	ssyncset.done @!p0 $0x0  }
0x114: {  	[sflag:s0] =	ssyncadd.s32 @!p0 s1  }
0x115: {  	[bflag:$0x3] =	sbarrier.arrive $0xFFFF  }
0x116: {  	_ =	shalt  }

</sc_bundles>
